<compile_context>
chip_gen: v7x
topology: tpu7x:2x2x1
jax: 0.10.2.dev20260603
libtpu: 0.0.44.dev20260713+nightly
codegen_flags: <defaults>
</compile_context>

<pallas_src>
import functools
import math

import jax
import jax.numpy as jnp
from jax import lax
from jax.experimental import pallas as pl
from jax.experimental.pallas import tpu as pltpu
from jax.experimental.pallas import tpu_sc as plsc

S = 64.0
MARGIN = 0.5
COS_M = math.cos(MARGIN)
SIN_M = math.sin(MARGIN)

NUM_WORKERS = 32
LANES = 16
BUF = 20000


def _sqrt_sc(a):
    seed = plsc.bitcast(
        0x5F3759DF - lax.shift_right_logical(plsc.bitcast(a, jnp.int32), 1),
        jnp.float32,
    )
    z = seed
    for _ in range(4):
        z = z * (1.5 - 0.5 * a * z * z)
    return a * z


def _arcface_sc(logits_flat, labels, n_rows, n_cols):
    rows_per_w = n_rows // NUM_WORKERS
    chunk = rows_per_w * n_cols
    n_elems = n_rows * n_cols
    mesh = plsc.VectorSubcoreMesh(core_axis_name="c", subcore_axis_name="s")

    @functools.partial(
        pl.kernel,
        out_type=jax.ShapeDtypeStruct((n_elems,), jnp.float32),
        mesh=mesh,
        scratch_types=[
            pltpu.VMEM((rows_per_w,), jnp.int32),
            pltpu.VMEM((rows_per_w,), jnp.int32),
            pltpu.VMEM((rows_per_w,), jnp.float32),
            pltpu.VMEM((rows_per_w,), jnp.float32),
            pltpu.VMEM((BUF,), jnp.float32),
            pltpu.SemaphoreType.DMA,
        ],
        compiler_params=pltpu.CompilerParams(needs_layout_passes=False),
    )
    def k(logits_hbm, labels_hbm, out_hbm, lab_v, gidx_v, x_v, pvs_v, buf, sem):
        wid = lax.axis_index("s") * 2 + lax.axis_index("c")
        base_row = wid * rows_per_w
        base = base_row * n_cols

        pltpu.sync_copy(labels_hbm.at[pl.ds(base_row, rows_per_w)], lab_v)
        for i in range(rows_per_w // LANES):
            lab = lab_v[pl.ds(i * LANES, LANES)]
            rows = base_row + i * LANES + lax.iota(jnp.int32, LANES)
            gidx_v[pl.ds(i * LANES, LANES)] = jnp.where(
                lab >= 0, rows * n_cols + lab, -1
            )
        pltpu.async_copy(logits_hbm.at[gidx_v], x_v, sem).wait()
        for i in range(rows_per_w // LANES):
            x = x_v[pl.ds(i * LANES, LANES)]
            a = jnp.maximum(1.0 - x * x, 1e-12)
            pvs_v[pl.ds(i * LANES, LANES)] = (
                x * (S * COS_M) - _sqrt_sc(a) * (S * SIN_M)
            )

        @pl.loop(0, chunk, step=BUF)
        def _tile(off):
            start = base + off
            pltpu.sync_copy(logits_hbm.at[pl.ds(start, BUF)], buf)

            @pl.loop(0, BUF, step=LANES, unroll=8)
            def _scale(v):
                buf[pl.ds(v, LANES)] = buf[pl.ds(v, LANES)] * S

            for i in range(rows_per_w // LANES):
                gi = gidx_v[pl.ds(i * LANES, LANES)]
                m = (gi >= start) & (gi < start + BUF)
                plsc.store_scatter(
                    buf, [gi - start], pvs_v[pl.ds(i * LANES, LANES)], mask=m
                )
            pltpu.sync_copy(buf, out_hbm.at[pl.ds(start, BUF)])

    return k(logits_flat, labels)


@jax.jit
def kernel(logits, labels):
    n_rows, n_cols = logits.shape
    out = _arcface_sc(logits.reshape(-1), labels, n_rows, n_cols)
    return out.reshape(n_rows, n_cols)

# --- scband reference (transcript-rebuilt; emitter-appended) ---
"""Pipeline reference for scband-arc-face-80427557585549 (READ-ONLY COPY).

The authoritative reference and input builder live on the scoring server;
editing this copy changes nothing except your own understanding.
"""

import jax, jax.numpy as jnp
import numpy as np

S = 64.0
MARGIN = 0.5


def setup_inputs(seed: int = 0) -> dict:
    key = jax.random.key(seed)
    k1, k2 = jax.random.split(key)
    # cosine-similarity logits must lie in arccos domain; uniform [0,1) is safe
    logits = jax.random.uniform(k1, (1024, 100000), dtype=jnp.float32)
    labels = jax.random.randint(k2, (1024,), 0, 100000, dtype=jnp.int32)
    return {"logits": logits, "labels": labels}


def reference(logits, labels):
    # index = torch.where(labels != -1)[0]
    valid = labels != -1
    safe_labels = jnp.where(valid, labels, 0)
    rows = jnp.arange(logits.shape[0])

    # target_logit = logits[index, labels[index]]; arccos_ on both
    theta = jnp.arccos(logits)
    target_theta = theta[rows, safe_labels]
    final_target_theta = target_theta + MARGIN

    # scatter-overwrite the margin-shifted angle only at valid rows
    new_vals = jnp.where(valid, final_target_theta, target_theta)
    theta = theta.at[rows, safe_labels].set(new_vals)

    # cos_ then scale
    out = jnp.cos(theta) * S
    return out

if __name__ == "__main__":
    import jax
    _d = setup_inputs()
    print(jax.jit(kernel)(*tuple(_d.values())))

</pallas_src>

<mosaic_0001>
#map = affine_map<(d0, d1) -> (0)>
module attributes {stable_mosaic.version = 14 : i64} {
  func.func @k(%arg0: i32, %arg1: i32, %arg2: memref<102400000xf32, #tpu.memory_space<hbm>>, %arg3: memref<1024xi32, #tpu.memory_space<hbm>>, %arg4: memref<102400000xf32, #tpu.memory_space<hbm>>, %arg5: memref<32xi32, #tpu.memory_space<vmem>>, %arg6: memref<32xi32, #tpu.memory_space<vmem>>, %arg7: memref<32xf32, #tpu.memory_space<vmem>>, %arg8: memref<32xf32, #tpu.memory_space<vmem>>, %arg9: memref<20000xf32, #tpu.memory_space<vmem>>, %arg10: memref<!tpu.dma_semaphore, #tpu.memory_space<semaphore_mem>>) attributes {dimension_semantics = [#tpu.dimension_semantics<core_parallel>, #tpu.dimension_semantics<subcore_parallel>], iteration_bounds = array<i64: 2, 16>, scalar_prefetch = 0 : i64, scratch_operands = 6 : i64, tpu.core_type = #tpu.core_type<sc_vector_subcore>, window_params = [{transform_indices = #map}, {transform_indices = #map}, {transform_indices = #map}]} {
    %mul3A = arith.constant 2 : i32
    %mul3A_0 = arith.muli %arg1, %mul3A : i32
    %add3A = arith.addi %mul3A_0, %arg0 : i32
    %mul3A_1 = arith.constant 32 : i32
    %mul3A_2 = arith.muli %add3A, %mul3A_1 : i32
    %mul3A_3 = arith.constant 100000 : i32
    %mul3A_4 = arith.muli %mul3A_2, %mul3A_3 : i32
    "tpu.region"() ({
      %run_scoped3A = tpu.sem_alloc : memref<!tpu.dma_semaphore, #tpu.memory_space<semaphore_mem>>
      %dma_start3A_164 = tpu.memref_slice %arg3[%mul3A_2] : memref<1024xi32, #tpu.memory_space<hbm>> -> memref<32xi32, #tpu.memory_space<hbm>>
      %dma_start3A_165 = tpu.memref_slice %arg3[%mul3A_2] : memref<1024xi32, #tpu.memory_space<hbm>> -> memref<32xi32, #tpu.memory_space<hbm>>
      tpu.enqueue_dma source(%dma_start3A_165 : memref<32xi32, #tpu.memory_space<hbm>>) target(%arg5 : memref<32xi32, #tpu.memory_space<vmem>>) target_semaphore(%run_scoped3A : memref<!tpu.dma_semaphore, #tpu.memory_space<semaphore_mem>>)
      %dma_wait3A_166 = tpu.memref_slice %arg3[%mul3A_2] : memref<1024xi32, #tpu.memory_space<hbm>> -> memref<32xi32, #tpu.memory_space<hbm>>
      %dma_wait3A_167 = tpu.memref_slice %arg3[%mul3A_2] : memref<1024xi32, #tpu.memory_space<hbm>> -> memref<32xi32, #tpu.memory_space<hbm>>
      tpu.wait_dma2 semaphore(%run_scoped3A : memref<!tpu.dma_semaphore, #tpu.memory_space<semaphore_mem>>) src(%dma_wait3A_167 : memref<32xi32, #tpu.memory_space<hbm>>) dst(%arg5 : memref<32xi32, #tpu.memory_space<vmem>>)
      tpu.yield
    }) : () -> ()
    %get3A = arith.constant 0 : index
    %get3A_5 = tpu.vector_load %arg5[%get3A] {strides = array<i32>} : memref<32xi32, #tpu.memory_space<vmem>>, vector<16xi32>,
    %add3A_6 = arith.constant 0 : i32
    %add3A_7 = arith.addi %mul3A_2, %add3A_6 : i32
    %iota3A = tpu.iota {dimensions = array<i32: 0>} : vector<16xi32>
    %add3A_8 = vector.broadcast %add3A_7 : i32 to vector<16xi32>
    %add3A_9 = arith.addi %add3A_8, %iota3A : vector<16xi32>
    %ge3A = arith.constant 0 : i32
    %ge3A_10 = vector.broadcast %ge3A : i32 to vector<16xi32>
    %ge3A_11 = arith.cmpi sge, %get3A_5, %ge3A_10 : vector<16xi32>
    %mul3A_12 = arith.constant 100000 : i32
    %mul3A_13 = vector.broadcast %mul3A_12 : i32 to vector<16xi32>
    %mul3A_14 = arith.muli %add3A_9, %mul3A_13 : vector<16xi32>
    %add3A_15 = arith.addi %mul3A_14, %get3A_5 : vector<16xi32>
    %jit3A = arith.constant -1 : i32
    %broadcast_in_dim3A = vector.broadcast %jit3A : i32 to vector<16xi32>
    %select_n3A = arith.select %ge3A_11, %add3A_15, %broadcast_in_dim3A : vector<16xi1>, vector<16xi32>
    %swap3A = arith.constant 0 : index
    %swap3A_16 = tpu.vector_load %arg6[%swap3A] {strides = array<i32>} : memref<32xi32, #tpu.memory_space<vmem>>, vector<16xi32>,
    tpu.vector_store %arg6[%swap3A], %select_n3A {strides = array<i32>} : memref<32xi32, #tpu.memory_space<vmem>>, vector<16xi32>,
    %get3A_17 = arith.constant 16 : index
    %get3A_18 = tpu.vector_load %arg5[%get3A_17] {strides = array<i32>} : memref<32xi32, #tpu.memory_space<vmem>>, vector<16xi32>,
    %add3A_19 = arith.constant 16 : i32
    %add3A_20 = arith.addi %mul3A_2, %add3A_19 : i32
    %iota3A_21 = tpu.iota {dimensions = array<i32: 0>} : vector<16xi32>
    %add3A_22 = vector.broadcast %add3A_20 : i32 to vector<16xi32>
    %add3A_23 = arith.addi %add3A_22, %iota3A_21 : vector<16xi32>
    %ge3A_24 = arith.constant 0 : i32
    %ge3A_25 = vector.broadcast %ge3A_24 : i32 to vector<16xi32>
    %ge3A_26 = arith.cmpi sge, %get3A_18, %ge3A_25 : vector<16xi32>
    %mul3A_27 = arith.constant 100000 : i32
    %mul3A_28 = vector.broadcast %mul3A_27 : i32 to vector<16xi32>
    %mul3A_29 = arith.muli %add3A_23, %mul3A_28 : vector<16xi32>
    %add3A_30 = arith.addi %mul3A_29, %get3A_18 : vector<16xi32>
    %jit3A_31 = arith.constant -1 : i32
    %broadcast_in_dim3A_32 = vector.broadcast %jit3A_31 : i32 to vector<16xi32>
    %select_n3A_33 = arith.select %ge3A_26, %add3A_30, %broadcast_in_dim3A_32 : vector<16xi1>, vector<16xi32>
    %swap3A_34 = arith.constant 16 : index
    %swap3A_35 = tpu.vector_load %arg6[%swap3A_34] {strides = array<i32>} : memref<32xi32, #tpu.memory_space<vmem>>, vector<16xi32>,
    tpu.vector_store %arg6[%swap3A_34], %select_n3A_33 {strides = array<i32>} : memref<32xi32, #tpu.memory_space<vmem>>, vector<16xi32>,
    %dma_start3A = arith.constant 0 : i32
    %dma_start3A_36 = tpu.memref_slice %arg2[%dma_start3A] : memref<102400000xf32, #tpu.memory_space<hbm>> -> memref<102400000xf32, #tpu.memory_space<hbm>>
    tpu.enqueue_indirect_dma source(%dma_start3A_36 : memref<102400000xf32, #tpu.memory_space<hbm>>) target(%arg7 : memref<32xf32, #tpu.memory_space<vmem>>) offsets(%arg6 : memref<32xi32, #tpu.memory_space<vmem>>) semaphore(%arg10 : memref<!tpu.dma_semaphore, #tpu.memory_space<semaphore_mem>>)
    %dma_wait3A = arith.constant 0 : i32
    %dma_wait3A_37 = tpu.memref_slice %arg2[%dma_wait3A] : memref<102400000xf32, #tpu.memory_space<hbm>> -> memref<102400000xf32, #tpu.memory_space<hbm>>
    tpu.wait_indirect_dma semaphore(%arg10 : memref<!tpu.dma_semaphore, #tpu.memory_space<semaphore_mem>>) src(%dma_wait3A_37 : memref<102400000xf32, #tpu.memory_space<hbm>>) dst(%arg7 : memref<32xf32, #tpu.memory_space<vmem>>)
    %get3A_38 = arith.constant 0 : index
    %get3A_39 = tpu.vector_load %arg7[%get3A_38] {strides = array<i32>} : memref<32xf32, #tpu.memory_space<vmem>>, vector<16xf32>,
    %mul3A_40 = arith.mulf %get3A_39, %get3A_39 : vector<16xf32>
    %sub3A = arith.constant 1.000000e+00 : f32
    %sub3A_41 = vector.broadcast %sub3A : f32 to vector<16xf32>
    %sub3A_42 = arith.subf %sub3A_41, %mul3A_40 : vector<16xf32>
    %max3A = arith.constant 9.99999996E-13 : f32
    %max3A_43 = vector.broadcast %max3A : f32 to vector<16xf32>
    %max3A_44 = arith.maximumf %sub3A_42, %max3A_43 : vector<16xf32>
    %mul3A_45 = arith.constant 56.1652832 : f32
    %mul3A_46 = vector.broadcast %mul3A_45 : f32 to vector<16xf32>
    %mul3A_47 = arith.mulf %get3A_39, %mul3A_46 : vector<16xf32>
    %bitcast3A = vector.bitcast %max3A_44 : vector<16xf32> to vector<16xi32>
    %shift_right_logical3A = arith.constant 1 : i32
    %shift_right_logical3A_48 = vector.broadcast %shift_right_logical3A : i32 to vector<16xi32>
    %shift_right_logical3A_49 = arith.shrui %bitcast3A, %shift_right_logical3A_48 : vector<16xi32>
    %sub3A_50 = arith.constant 1597463007 : i32
    %sub3A_51 = vector.broadcast %sub3A_50 : i32 to vector<16xi32>
    %sub3A_52 = arith.subi %sub3A_51, %shift_right_logical3A_49 : vector<16xi32>
    %bitcast3A_53 = vector.bitcast %sub3A_52 : vector<16xi32> to vector<16xf32>
    %mul3A_54 = arith.constant 5.000000e-01 : f32
    %mul3A_55 = vector.broadcast %mul3A_54 : f32 to vector<16xf32>
    %mul3A_56 = arith.mulf %mul3A_55, %max3A_44 : vector<16xf32>
    %mul3A_57 = arith.mulf %mul3A_56, %bitcast3A_53 : vector<16xf32>
    %mul3A_58 = arith.mulf %mul3A_57, %bitcast3A_53 : vector<16xf32>
    %sub3A_59 = arith.constant 1.500000e+00 : f32
    %sub3A_60 = vector.broadcast %sub3A_59 : f32 to vector<16xf32>
    %sub3A_61 = arith.subf %sub3A_60, %mul3A_58 : vector<16xf32>
    %mul3A_62 = arith.mulf %bitcast3A_53, %sub3A_61 : vector<16xf32>
    %mul3A_63 = arith.constant 5.000000e-01 : f32
    %mul3A_64 = vector.broadcast %mul3A_63 : f32 to vector<16xf32>
    %mul3A_65 = arith.mulf %mul3A_64, %max3A_44 : vector<16xf32>
    %mul3A_66 = arith.mulf %mul3A_65, %mul3A_62 : vector<16xf32>
    %mul3A_67 = arith.mulf %mul3A_66, %mul3A_62 : vector<16xf32>
    %sub3A_68 = arith.constant 1.500000e+00 : f32
    %sub3A_69 = vector.broadcast %sub3A_68 : f32 to vector<16xf32>
    %sub3A_70 = arith.subf %sub3A_69, %mul3A_67 : vector<16xf32>
    %mul3A_71 = arith.mulf %mul3A_62, %sub3A_70 : vector<16xf32>
    %mul3A_72 = arith.constant 5.000000e-01 : f32
    %mul3A_73 = vector.broadcast %mul3A_72 : f32 to vector<16xf32>
    %mul3A_74 = arith.mulf %mul3A_73, %max3A_44 : vector<16xf32>
    %mul3A_75 = arith.mulf %mul3A_74, %mul3A_71 : vector<16xf32>
    %mul3A_76 = arith.mulf %mul3A_75, %mul3A_71 : vector<16xf32>
    %sub3A_77 = arith.constant 1.500000e+00 : f32
    %sub3A_78 = vector.broadcast %sub3A_77 : f32 to vector<16xf32>
    %sub3A_79 = arith.subf %sub3A_78, %mul3A_76 : vector<16xf32>
    %mul3A_80 = arith.mulf %mul3A_71, %sub3A_79 : vector<16xf32>
    %mul3A_81 = arith.constant 5.000000e-01 : f32
    %mul3A_82 = vector.broadcast %mul3A_81 : f32 to vector<16xf32>
    %mul3A_83 = arith.mulf %mul3A_82, %max3A_44 : vector<16xf32>
    %mul3A_84 = arith.mulf %mul3A_83, %mul3A_80 : vector<16xf32>
    %mul3A_85 = arith.mulf %mul3A_84, %mul3A_80 : vector<16xf32>
    %sub3A_86 = arith.constant 1.500000e+00 : f32
    %sub3A_87 = vector.broadcast %sub3A_86 : f32 to vector<16xf32>
    %sub3A_88 = arith.subf %sub3A_87, %mul3A_85 : vector<16xf32>
    %mul3A_89 = arith.mulf %mul3A_80, %sub3A_88 : vector<16xf32>
    %mul3A_90 = arith.mulf %max3A_44, %mul3A_89 : vector<16xf32>
    %mul3A_91 = arith.constant 30.6832352 : f32
    %mul3A_92 = vector.broadcast %mul3A_91 : f32 to vector<16xf32>
    %mul3A_93 = arith.mulf %mul3A_90, %mul3A_92 : vector<16xf32>
    %sub3A_94 = arith.subf %mul3A_47, %mul3A_93 : vector<16xf32>
    %swap3A_95 = arith.constant 0 : index
    %swap3A_96 = tpu.vector_load %arg8[%swap3A_95] {strides = array<i32>} : memref<32xf32, #tpu.memory_space<vmem>>, vector<16xf32>,
    tpu.vector_store %arg8[%swap3A_95], %sub3A_94 {strides = array<i32>} : memref<32xf32, #tpu.memory_space<vmem>>, vector<16xf32>,
    %get3A_97 = arith.constant 16 : index
    %get3A_98 = tpu.vector_load %arg7[%get3A_97] {strides = array<i32>} : memref<32xf32, #tpu.memory_space<vmem>>, vector<16xf32>,
    %mul3A_99 = arith.mulf %get3A_98, %get3A_98 : vector<16xf32>
    %sub3A_100 = arith.constant 1.000000e+00 : f32
    %sub3A_101 = vector.broadcast %sub3A_100 : f32 to vector<16xf32>
    %sub3A_102 = arith.subf %sub3A_101, %mul3A_99 : vector<16xf32>
    %max3A_103 = arith.constant 9.99999996E-13 : f32
    %max3A_104 = vector.broadcast %max3A_103 : f32 to vector<16xf32>
    %max3A_105 = arith.maximumf %sub3A_102, %max3A_104 : vector<16xf32>
    %mul3A_106 = arith.constant 56.1652832 : f32
    %mul3A_107 = vector.broadcast %mul3A_106 : f32 to vector<16xf32>
    %mul3A_108 = arith.mulf %get3A_98, %mul3A_107 : vector<16xf32>
    %bitcast3A_109 = vector.bitcast %max3A_105 : vector<16xf32> to vector<16xi32>
    %shift_right_logical3A_110 = arith.constant 1 : i32
    %shift_right_logical3A_111 = vector.broadcast %shift_right_logical3A_110 : i32 to vector<16xi32>
    %shift_right_logical3A_112 = arith.shrui %bitcast3A_109, %shift_right_logical3A_111 : vector<16xi32>
    %sub3A_113 = arith.constant 1597463007 : i32
    %sub3A_114 = vector.broadcast %sub3A_113 : i32 to vector<16xi32>
    %sub3A_115 = arith.subi %sub3A_114, %shift_right_logical3A_112 : vector<16xi32>
    %bitcast3A_116 = vector.bitcast %sub3A_115 : vector<16xi32> to vector<16xf32>
    %mul3A_117 = arith.constant 5.000000e-01 : f32
    %mul3A_118 = vector.broadcast %mul3A_117 : f32 to vector<16xf32>
    %mul3A_119 = arith.mulf %mul3A_118, %max3A_105 : vector<16xf32>
    %mul3A_120 = arith.mulf %mul3A_119, %bitcast3A_116 : vector<16xf32>
    %mul3A_121 = arith.mulf %mul3A_120, %bitcast3A_116 : vector<16xf32>
    %sub3A_122 = arith.constant 1.500000e+00 : f32
    %sub3A_123 = vector.broadcast %sub3A_122 : f32 to vector<16xf32>
    %sub3A_124 = arith.subf %sub3A_123, %mul3A_121 : vector<16xf32>
    %mul3A_125 = arith.mulf %bitcast3A_116, %sub3A_124 : vector<16xf32>
    %mul3A_126 = arith.constant 5.000000e-01 : f32
    %mul3A_127 = vector.broadcast %mul3A_126 : f32 to vector<16xf32>
    %mul3A_128 = arith.mulf %mul3A_127, %max3A_105 : vector<16xf32>
    %mul3A_129 = arith.mulf %mul3A_128, %mul3A_125 : vector<16xf32>
    %mul3A_130 = arith.mulf %mul3A_129, %mul3A_125 : vector<16xf32>
    %sub3A_131 = arith.constant 1.500000e+00 : f32
    %sub3A_132 = vector.broadcast %sub3A_131 : f32 to vector<16xf32>
    %sub3A_133 = arith.subf %sub3A_132, %mul3A_130 : vector<16xf32>
    %mul3A_134 = arith.mulf %mul3A_125, %sub3A_133 : vector<16xf32>
    %mul3A_135 = arith.constant 5.000000e-01 : f32
    %mul3A_136 = vector.broadcast %mul3A_135 : f32 to vector<16xf32>
    %mul3A_137 = arith.mulf %mul3A_136, %max3A_105 : vector<16xf32>
    %mul3A_138 = arith.mulf %mul3A_137, %mul3A_134 : vector<16xf32>
    %mul3A_139 = arith.mulf %mul3A_138, %mul3A_134 : vector<16xf32>
    %sub3A_140 = arith.constant 1.500000e+00 : f32
    %sub3A_141 = vector.broadcast %sub3A_140 : f32 to vector<16xf32>
    %sub3A_142 = arith.subf %sub3A_141, %mul3A_139 : vector<16xf32>
    %mul3A_143 = arith.mulf %mul3A_134, %sub3A_142 : vector<16xf32>
    %mul3A_144 = arith.constant 5.000000e-01 : f32
    %mul3A_145 = vector.broadcast %mul3A_144 : f32 to vector<16xf32>
    %mul3A_146 = arith.mulf %mul3A_145, %max3A_105 : vector<16xf32>
    %mul3A_147 = arith.mulf %mul3A_146, %mul3A_143 : vector<16xf32>
    %mul3A_148 = arith.mulf %mul3A_147, %mul3A_143 : vector<16xf32>
    %sub3A_149 = arith.constant 1.500000e+00 : f32
    %sub3A_150 = vector.broadcast %sub3A_149 : f32 to vector<16xf32>
    %sub3A_151 = arith.subf %sub3A_150, %mul3A_148 : vector<16xf32>
    %mul3A_152 = arith.mulf %mul3A_143, %sub3A_151 : vector<16xf32>
    %mul3A_153 = arith.mulf %max3A_105, %mul3A_152 : vector<16xf32>
    %mul3A_154 = arith.constant 30.6832352 : f32
    %mul3A_155 = vector.broadcast %mul3A_154 : f32 to vector<16xf32>
    %mul3A_156 = arith.mulf %mul3A_153, %mul3A_155 : vector<16xf32>
    %sub3A_157 = arith.subf %mul3A_108, %mul3A_156 : vector<16xf32>
    %swap3A_158 = arith.constant 16 : index
    %swap3A_159 = tpu.vector_load %arg8[%swap3A_158] {strides = array<i32>} : memref<32xf32, #tpu.memory_space<vmem>>, vector<16xf32>,
    tpu.vector_store %arg8[%swap3A_158], %sub3A_157 {strides = array<i32>} : memref<32xf32, #tpu.memory_space<vmem>>, vector<16xf32>,
    %scan3A = arith.constant 0 : i32
    %scan3A_160 = arith.constant 160 : i32
    %scan3A_161 = arith.addi %scan3A, %scan3A_160 : i32
    %scan3A_162 = arith.constant 1 : i32
    scf.for %scan3A_164 = %scan3A to %scan3A_161 step %scan3A_162  : i32 {
      %mul3A_165 = arith.constant 20000 : i32
      %mul3A_166 = arith.muli %scan3A_164, %mul3A_165 : i32
      %add3A_167 = arith.constant 0 : i32
      %add3A_168 = arith.addi %add3A_167, %mul3A_166 : i32
      %add3A_169 = arith.addi %mul3A_4, %add3A_168 : i32
      "tpu.region"() ({
        %run_scoped3A = tpu.sem_alloc : memref<!tpu.dma_semaphore, #tpu.memory_space<semaphore_mem>>
        %dma_start3A_225 = tpu.memref_slice %arg2[%add3A_169] : memref<102400000xf32, #tpu.memory_space<hbm>> -> memref<20000xf32, #tpu.memory_space<hbm>>
        %dma_start3A_226 = tpu.memref_slice %arg2[%add3A_169] : memref<102400000xf32, #tpu.memory_space<hbm>> -> memref<20000xf32, #tpu.memory_space<hbm>>
        tpu.enqueue_dma source(%dma_start3A_226 : memref<20000xf32, #tpu.memory_space<hbm>>) target(%arg9 : memref<20000xf32, #tpu.memory_space<vmem>>) target_semaphore(%run_scoped3A : memref<!tpu.dma_semaphore, #tpu.memory_space<semaphore_mem>>)
        %dma_wait3A_227 = tpu.memref_slice %arg2[%add3A_169] : memref<102400000xf32, #tpu.memory_space<hbm>> -> memref<20000xf32, #tpu.memory_space<hbm>>
        %dma_wait3A_228 = tpu.memref_slice %arg2[%add3A_169] : memref<102400000xf32, #tpu.memory_space<hbm>> -> memref<20000xf32, #tpu.memory_space<hbm>>
        tpu.wait_dma2 semaphore(%run_scoped3A : memref<!tpu.dma_semaphore, #tpu.memory_space<semaphore_mem>>) src(%dma_wait3A_228 : memref<20000xf32, #tpu.memory_space<hbm>>) dst(%arg9 : memref<20000xf32, #tpu.memory_space<vmem>>)
        tpu.yield
      }) : () -> ()
      %scan3A_170 = arith.constant 0 : i32
      %scan3A_171 = arith.constant 1248 : i32
      %scan3A_172 = arith.addi %scan3A_170, %scan3A_171 : i32
      %scan3A_173 = arith.constant 8 : i32
      scf.for %scan3A_225 = %scan3A_170 to %scan3A_172 step %scan3A_173  : i32 {
        %mul3A_226 = arith.constant 16 : i32
        %mul3A_227 = arith.muli %scan3A_225, %mul3A_226 : i32
        %add3A_228 = arith.constant 0 : i32
        %add3A_229 = arith.addi %add3A_228, %mul3A_227 : i32
        %get3A_230 = arith.index_cast %add3A_229 : i32 to index
        %get3A_231 = tpu.vector_load %arg9[%get3A_230] {strides = array<i32>} : memref<20000xf32, #tpu.memory_space<vmem>>, vector<16xf32>,
        %mul3A_232 = arith.constant 6.400000e+01 : f32
        %mul3A_233 = vector.broadcast %mul3A_232 : f32 to vector<16xf32>
        %mul3A_234 = arith.mulf %get3A_231, %mul3A_233 : vector<16xf32>
        %swap3A_235 = arith.index_cast %add3A_229 : i32 to index
        %swap3A_236 = tpu.vector_load %arg9[%swap3A_235] {strides = array<i32>} : memref<20000xf32, #tpu.memory_space<vmem>>, vector<16xf32>,
        tpu.vector_store %arg9[%swap3A_235], %mul3A_234 {strides = array<i32>} : memref<20000xf32, #tpu.memory_space<vmem>>, vector<16xf32>,
        %scan3A_237 = arith.constant 1 : i32
        %scan3A_238 = arith.addi %scan3A_225, %scan3A_237 : i32
        %mul3A_239 = arith.constant 16 : i32
        %mul3A_240 = arith.muli %scan3A_238, %mul3A_239 : i32
        %add3A_241 = arith.constant 0 : i32
        %add3A_242 = arith.addi %add3A_241, %mul3A_240 : i32
        %get3A_243 = arith.index_cast %add3A_242 : i32 to index
        %get3A_244 = tpu.vector_load %arg9[%get3A_243] {strides = array<i32>} : memref<20000xf32, #tpu.memory_space<vmem>>, vector<16xf32>,
        %mul3A_245 = arith.constant 6.400000e+01 : f32
        %mul3A_246 = vector.broadcast %mul3A_245 : f32 to vector<16xf32>
        %mul3A_247 = arith.mulf %get3A_244, %mul3A_246 : vector<16xf32>
        %swap3A_248 = arith.index_cast %add3A_242 : i32 to index
        %swap3A_249 = tpu.vector_load %arg9[%swap3A_248] {strides = array<i32>} : memref<20000xf32, #tpu.memory_space<vmem>>, vector<16xf32>,
        tpu.vector_store %arg9[%swap3A_248], %mul3A_247 {strides = array<i32>} : memref<20000xf32, #tpu.memory_space<vmem>>, vector<16xf32>,
        %scan3A_250 = arith.constant 2 : i32
        %scan3A_251 = arith.addi %scan3A_225, %scan3A_250 : i32
        %mul3A_252 = arith.constant 16 : i32
        %mul3A_253 = arith.muli %scan3A_251, %mul3A_252 : i32
        %add3A_254 = arith.constant 0 : i32
        %add3A_255 = arith.addi %add3A_254, %mul3A_253 : i32
        %get3A_256 = arith.index_cast %add3A_255 : i32 to index
        %get3A_257 = tpu.vector_load %arg9[%get3A_256] {strides = array<i32>} : memref<20000xf32, #tpu.memory_space<vmem>>, vector<16xf32>,
        %mul3A_258 = arith.constant 6.400000e+01 : f32
        %mul3A_259 = vector.broadcast %mul3A_258 : f32 to vector<16xf32>
        %mul3A_260 = arith.mulf %get3A_257, %mul3A_259 : vector<16xf32>
        %swap3A_261 = arith.index_cast %add3A_255 : i32 to index
        %swap3A_262 = tpu.vector_load %arg9[%swap3A_261] {strides = array<i32>} : memref<20000xf32, #tpu.memory_space<vmem>>, vector<16xf32>,
        tpu.vector_store %arg9[%swap3A_261], %mul3A_260 {strides = array<i32>} : memref<20000xf32, #tpu.memory_space<vmem>>, vector<16xf32>,
        %scan3A_263 = arith.constant 3 : i32
        %scan3A_264 = arith.addi %scan3A_225, %scan3A_263 : i32
        %mul3A_265 = arith.constant 16 : i32
        %mul3A_266 = arith.muli %scan3A_264, %mul3A_265 : i32
        %add3A_267 = arith.constant 0 : i32
        %add3A_268 = arith.addi %add3A_267, %mul3A_266 : i32
        %get3A_269 = arith.index_cast %add3A_268 : i32 to index
        %get3A_270 = tpu.vector_load %arg9[%get3A_269] {strides = array<i32>} : memref<20000xf32, #tpu.memory_space<vmem>>, vector<16xf32>,
        %mul3A_271 = arith.constant 6.400000e+01 : f32
        %mul3A_272 = vector.broadcast %mul3A_271 : f32 to vector<16xf32>
        %mul3A_273 = arith.mulf %get3A_270, %mul3A_272 : vector<16xf32>
        %swap3A_274 = arith.index_cast %add3A_268 : i32 to index
        %swap3A_275 = tpu.vector_load %arg9[%swap3A_274] {strides = array<i32>} : memref<20000xf32, #tpu.memory_space<vmem>>, vector<16xf32>,
        tpu.vector_store %arg9[%swap3A_274], %mul3A_273 {strides = array<i32>} : memref<20000xf32, #tpu.memory_space<vmem>>, vector<16xf32>,
        %scan3A_276 = arith.constant 4 : i32
        %scan3A_277 = arith.addi %scan3A_225, %scan3A_276 : i32
        %mul3A_278 = arith.constant 16 : i32
        %mul3A_279 = arith.muli %scan3A_277, %mul3A_278 : i32
        %add3A_280 = arith.constant 0 : i32
        %add3A_281 = arith.addi %add3A_280, %mul3A_279 : i32
        %get3A_282 = arith.index_cast %add3A_281 : i32 to index
        %get3A_283 = tpu.vector_load %arg9[%get3A_282] {strides = array<i32>} : memref<20000xf32, #tpu.memory_space<vmem>>, vector<16xf32>,
        %mul3A_284 = arith.constant 6.400000e+01 : f32
        %mul3A_285 = vector.broadcast %mul3A_284 : f32 to vector<16xf32>
        %mul3A_286 = arith.mulf %get3A_283, %mul3A_285 : vector<16xf32>
        %swap3A_287 = arith.index_cast %add3A_281 : i32 to index
        %swap3A_288 = tpu.vector_load %arg9[%swap3A_287] {strides = array<i32>} : memref<20000xf32, #tpu.memory_space<vmem>>, vector<16xf32>,
        tpu.vector_store %arg9[%swap3A_287], %mul3A_286 {strides = array<i32>} : memref<20000xf32, #tpu.memory_space<vmem>>, vector<16xf32>,
        %scan3A_289 = arith.constant 5 : i32
        %scan3A_290 = arith.addi %scan3A_225, %scan3A_289 : i32
        %mul3A_291 = arith.constant 16 : i32
        %mul3A_292 = arith.muli %scan3A_290, %mul3A_291 : i32
        %add3A_293 = arith.constant 0 : i32
        %add3A_294 = arith.addi %add3A_293, %mul3A_292 : i32
        %get3A_295 = arith.index_cast %add3A_294 : i32 to index
        %get3A_296 = tpu.vector_load %arg9[%get3A_295] {strides = array<i32>} : memref<20000xf32, #tpu.memory_space<vmem>>, vector<16xf32>,
        %mul3A_297 = arith.constant 6.400000e+01 : f32
        %mul3A_298 = vector.broadcast %mul3A_297 : f32 to vector<16xf32>
        %mul3A_299 = arith.mulf %get3A_296, %mul3A_298 : vector<16xf32>
        %swap3A_300 = arith.index_cast %add3A_294 : i32 to index
        %swap3A_301 = tpu.vector_load %arg9[%swap3A_300] {strides = array<i32>} : memref<20000xf32, #tpu.memory_space<vmem>>, vector<16xf32>,
        tpu.vector_store %arg9[%swap3A_300], %mul3A_299 {strides = array<i32>} : memref<20000xf32, #tpu.memory_space<vmem>>, vector<16xf32>,
        %scan3A_302 = arith.constant 6 : i32
        %scan3A_303 = arith.addi %scan3A_225, %scan3A_302 : i32
        %mul3A_304 = arith.constant 16 : i32
        %mul3A_305 = arith.muli %scan3A_303, %mul3A_304 : i32
        %add3A_306 = arith.constant 0 : i32
        %add3A_307 = arith.addi %add3A_306, %mul3A_305 : i32
        %get3A_308 = arith.index_cast %add3A_307 : i32 to index
        %get3A_309 = tpu.vector_load %arg9[%get3A_308] {strides = array<i32>} : memref<20000xf32, #tpu.memory_space<vmem>>, vector<16xf32>,
        %mul3A_310 = arith.constant 6.400000e+01 : f32
        %mul3A_311 = vector.broadcast %mul3A_310 : f32 to vector<16xf32>
        %mul3A_312 = arith.mulf %get3A_309, %mul3A_311 : vector<16xf32>
        %swap3A_313 = arith.index_cast %add3A_307 : i32 to index
        %swap3A_314 = tpu.vector_load %arg9[%swap3A_313] {strides = array<i32>} : memref<20000xf32, #tpu.memory_space<vmem>>, vector<16xf32>,
        tpu.vector_store %arg9[%swap3A_313], %mul3A_312 {strides = array<i32>} : memref<20000xf32, #tpu.memory_space<vmem>>, vector<16xf32>,
        %scan3A_315 = arith.constant 7 : i32
        %scan3A_316 = arith.addi %scan3A_225, %scan3A_315 : i32
        %mul3A_317 = arith.constant 16 : i32
        %mul3A_318 = arith.muli %scan3A_316, %mul3A_317 : i32
        %add3A_319 = arith.constant 0 : i32
        %add3A_320 = arith.addi %add3A_319, %mul3A_318 : i32
        %get3A_321 = arith.index_cast %add3A_320 : i32 to index
        %get3A_322 = tpu.vector_load %arg9[%get3A_321] {strides = array<i32>} : memref<20000xf32, #tpu.memory_space<vmem>>, vector<16xf32>,
        %mul3A_323 = arith.constant 6.400000e+01 : f32
        %mul3A_324 = vector.broadcast %mul3A_323 : f32 to vector<16xf32>
        %mul3A_325 = arith.mulf %get3A_322, %mul3A_324 : vector<16xf32>
        %swap3A_326 = arith.index_cast %add3A_320 : i32 to index
        %swap3A_327 = tpu.vector_load %arg9[%swap3A_326] {strides = array<i32>} : memref<20000xf32, #tpu.memory_space<vmem>>, vector<16xf32>,
        tpu.vector_store %arg9[%swap3A_326], %mul3A_325 {strides = array<i32>} : memref<20000xf32, #tpu.memory_space<vmem>>, vector<16xf32>,
      }
      %scan3A_174 = arith.constant 1248 : i32
      %scan3A_175 = arith.addi %scan3A_170, %scan3A_174 : i32
      %mul3A_176 = arith.constant 16 : i32
      %mul3A_177 = arith.muli %scan3A_175, %mul3A_176 : i32
      %add3A_178 = arith.constant 0 : i32
      %add3A_179 = arith.addi %add3A_178, %mul3A_177 : i32
      %get3A_180 = arith.index_cast %add3A_179 : i32 to index
      %get3A_181 = tpu.vector_load %arg9[%get3A_180] {strides = array<i32>} : memref<20000xf32, #tpu.memory_space<vmem>>, vector<16xf32>,
      %mul3A_182 = arith.constant 6.400000e+01 : f32
      %mul3A_183 = vector.broadcast %mul3A_182 : f32 to vector<16xf32>
      %mul3A_184 = arith.mulf %get3A_181, %mul3A_183 : vector<16xf32>
      %swap3A_185 = arith.index_cast %add3A_179 : i32 to index
      %swap3A_186 = tpu.vector_load %arg9[%swap3A_185] {strides = array<i32>} : memref<20000xf32, #tpu.memory_space<vmem>>, vector<16xf32>,
      tpu.vector_store %arg9[%swap3A_185], %mul3A_184 {strides = array<i32>} : memref<20000xf32, #tpu.memory_space<vmem>>, vector<16xf32>,
      %scan3A_187 = arith.constant 1249 : i32
      %scan3A_188 = arith.addi %scan3A_170, %scan3A_187 : i32
      %mul3A_189 = arith.constant 16 : i32
      %mul3A_190 = arith.muli %scan3A_188, %mul3A_189 : i32
      %add3A_191 = arith.constant 0 : i32
      %add3A_192 = arith.addi %add3A_191, %mul3A_190 : i32
      %get3A_193 = arith.index_cast %add3A_192 : i32 to index
      %get3A_194 = tpu.vector_load %arg9[%get3A_193] {strides = array<i32>} : memref<20000xf32, #tpu.memory_space<vmem>>, vector<16xf32>,
      %mul3A_195 = arith.constant 6.400000e+01 : f32
      %mul3A_196 = vector.broadcast %mul3A_195 : f32 to vector<16xf32>
      %mul3A_197 = arith.mulf %get3A_194, %mul3A_196 : vector<16xf32>
      %swap3A_198 = arith.index_cast %add3A_192 : i32 to index
      %swap3A_199 = tpu.vector_load %arg9[%swap3A_198] {strides = array<i32>} : memref<20000xf32, #tpu.memory_space<vmem>>, vector<16xf32>,
      tpu.vector_store %arg9[%swap3A_198], %mul3A_197 {strides = array<i32>} : memref<20000xf32, #tpu.memory_space<vmem>>, vector<16xf32>,
      %scan3A_200 = arith.constant 1250 : i32
      %get3A_201 = arith.constant 0 : index
      %get3A_202 = tpu.vector_load %arg6[%get3A_201] {strides = array<i32>} : memref<32xi32, #tpu.memory_space<vmem>>, vector<16xi32>,
      %ge3A_203 = vector.broadcast %add3A_169 : i32 to vector<16xi32>
      %ge3A_204 = arith.cmpi sge, %get3A_202, %ge3A_203 : vector<16xi32>
      %add3A_205 = arith.constant 20000 : i32
      %add3A_206 = arith.addi %add3A_169, %add3A_205 : i32
      %lt3A = vector.broadcast %add3A_206 : i32 to vector<16xi32>
      %lt3A_207 = arith.cmpi slt, %get3A_202, %lt3A : vector<16xi32>
      %and3A = arith.andi %ge3A_204, %lt3A_207 : vector<16xi1>
      %sub3A_208 = vector.broadcast %add3A_169 : i32 to vector<16xi32>
      %sub3A_209 = arith.subi %get3A_202, %sub3A_208 : vector<16xi32>
      %get3A_210 = arith.constant 0 : index
      %get3A_211 = tpu.vector_load %arg8[%get3A_210] {strides = array<i32>} : memref<32xf32, #tpu.memory_space<vmem>>, vector<16xf32>,
      tpu.vector_store_idx %arg9[%sub3A_209], %get3A_211 masked %and3A : memref<20000xf32, #tpu.memory_space<vmem>>[vector<16xi32>], vector<16xf32>, vector<16xi1>
      %get3A_212 = arith.constant 16 : index
      %get3A_213 = tpu.vector_load %arg6[%get3A_212] {strides = array<i32>} : memref<32xi32, #tpu.memory_space<vmem>>, vector<16xi32>,
      %ge3A_214 = vector.broadcast %add3A_169 : i32 to vector<16xi32>
      %ge3A_215 = arith.cmpi sge, %get3A_213, %ge3A_214 : vector<16xi32>
      %add3A_216 = arith.constant 20000 : i32
      %add3A_217 = arith.addi %add3A_169, %add3A_216 : i32
      %lt3A_218 = vector.broadcast %add3A_217 : i32 to vector<16xi32>
      %lt3A_219 = arith.cmpi slt, %get3A_213, %lt3A_218 : vector<16xi32>
      %and3A_220 = arith.andi %ge3A_215, %lt3A_219 : vector<16xi1>
      %sub3A_221 = vector.broadcast %add3A_169 : i32 to vector<16xi32>
      %sub3A_222 = arith.subi %get3A_213, %sub3A_221 : vector<16xi32>
      %get3A_223 = arith.constant 16 : index
      %get3A_224 = tpu.vector_load %arg8[%get3A_223] {strides = array<i32>} : memref<32xf32, #tpu.memory_space<vmem>>, vector<16xf32>,
      tpu.vector_store_idx %arg9[%sub3A_222], %get3A_224 masked %and3A_220 : memref<20000xf32, #tpu.memory_space<vmem>>[vector<16xi32>], vector<16xf32>, vector<16xi1>
      "tpu.region"() ({
        %run_scoped3A = tpu.sem_alloc : memref<!tpu.dma_semaphore, #tpu.memory_space<semaphore_mem>>
        %dma_start3A_225 = tpu.memref_slice %arg4[%add3A_169] : memref<102400000xf32, #tpu.memory_space<hbm>> -> memref<20000xf32, #tpu.memory_space<hbm>>
        %dma_start3A_226 = tpu.memref_slice %arg4[%add3A_169] : memref<102400000xf32, #tpu.memory_space<hbm>> -> memref<20000xf32, #tpu.memory_space<hbm>>
        tpu.enqueue_dma source(%arg9 : memref<20000xf32, #tpu.memory_space<vmem>>) target(%dma_start3A_226 : memref<20000xf32, #tpu.memory_space<hbm>>) target_semaphore(%run_scoped3A : memref<!tpu.dma_semaphore, #tpu.memory_space<semaphore_mem>>)
        %dma_wait3A_227 = tpu.memref_slice %arg4[%add3A_169] : memref<102400000xf32, #tpu.memory_space<hbm>> -> memref<20000xf32, #tpu.memory_space<hbm>>
        %dma_wait3A_228 = tpu.memref_slice %arg4[%add3A_169] : memref<102400000xf32, #tpu.memory_space<hbm>> -> memref<20000xf32, #tpu.memory_space<hbm>>
        tpu.wait_dma2 semaphore(%run_scoped3A : memref<!tpu.dma_semaphore, #tpu.memory_space<semaphore_mem>>) src(%arg9 : memref<20000xf32, #tpu.memory_space<vmem>>) dst(%dma_wait3A_228 : memref<20000xf32, #tpu.memory_space<hbm>>)
        tpu.yield
      }) : () -> ()
    }
    %scan3A_163 = arith.constant 160 : i32
    return
  }
}

</mosaic_0001>

<sc_bundles>
// kernel: kernel.3.cloned.1.call-start
scs
__scs_entry_jumppad:
0x0: {  	(pc) =	sbr.rel $0x88, $3  }
0x1: {  	(tag) =	ssettag $0x0;
	lr =	simm.s32 $0x1  }
0x2: {  	[smem:$0x3F9F] =	sst lr;
	_ =	strace $0xD0000000  }
0x3: {  	_ = 	snop  }
0x4: {  	_ = 	snop  }
0x5: {  	_ = 	snop  }
0x6: {  	_ = 	snop  }
0x7: {  	_ = 	snop  }
__scs_overlays_trampoline_lowered:
0x8: {  	[smem:$0x3FAE] =	sst s0  }
0x9: {  	[smem:$0x3FAF] =	sst s1  }
0xa: {  	[smem:$0x3FB0] =	sst s2  }
0xb: {  	[smem:$0x3FB1] =	sst s3  }
0xc: {  	[smem:$0x3FB2] =	sst s4  }
0xd: {  	[smem:$0x3FB3] =	sst s5  }
0xe: {  	[smem:$0x3FB4] =	sst s6  }
0xf: {  	[smem:$0x3FB5] =	sst s7  }
0x10: {  	[smem:$0x3FB6] =	sst s8  }
0x11: {  	[smem:$0x3FB7] =	sst s9;
	s0 =	simm.s32 @!p0 $0x0  }
0x12: {  	s1 =	sld [smem:$0x3F9D];
	s0 =	simm.s32 @p0 $0x1  }
0x13: {  	[smem:$0x3FB8] =	sst s0;
	s0 =	simm.s32 @!p1 $0x0  }
0x14: {  	s2 =	sld [smem:$0x3F9C];
	s0 =	simm.s32 @p1 $0x1  }
0x15: {  	[smem:$0x3FB9] =	sst s0;
	s0 =	simm.s32 @!p2 $0x0  }
0x16: {  	s3 =	sld [smem:$0x3FDB];
	s0 =	simm.s32 @p2 $0x1  }
0x17: {  	s4 =	simm.s32 $0x1BF5;
	[smem:$0x3FBB] =	sst s0  }
0x18: {  	s0 =	sld [smem:$0x3F9E];
	_ =	swait.ge [sflag:s4], $0x0  }
0x19: {  	s7 =	sld [smem:$0x3F9F]  }
0x1a: {  	s8 =	sadd.s32 $0xFFFFE003, lr  }
0x1b: {  	s9 =	sadd.s32 $0xFFFFFEF7, lr;
	s5 =	simm.s32 $0xFFFFFFFF;
	p2 =	slt.u32 s8, $0xFFFFF086  }
0x1c: {  	p1 =	slt.u32 s9, $0xF7A;
	s5 =	simm.s32 @!p2 $0x0  }
0x1d: {  	s5 =	simm.s32 @p1 $0x1;
	p0 =	seq.s32 s7, s2  }
0x1e: {  	s7 =	smul.u32 @!p0 $0xF7A, s2;
	p2 =	seq.s32 @!p0 s5, $0x0  }
0x1f: {  	s9 =	smul.u32 $0xF7A, s1;
	s8 =	simm.s32 @!p0 $0x1BF5;
	p2 =	por !p2, p0  }
0x20: {  	[sflag:s8] =	ssyncset.s32 @!p0 $0xFFFFF086;
	s6 =	sadd.s32 @!p0 s3, s7;
	s7 =	simm.s32 @!p0 $0x108  }
0x21: {  	s3 =	sadd.s32 s3, s9;
	s6 =	sadd.s32 @!p0 $0x88, s6;
	s7 =	simm.s32 @p2 $0x1082  }
0x22: {  	[simem:s7], [sflag:s8] =	dma.local @!p0 [hbm:s6], $0xF7A  }
0x23: {  	s9 =	sor.u32 $0xD0000000, s2;
	s6 =	simm.s32 $0x108;
	_ =	swait.ge @!p0 [sflag:s8], $0x0  }
0x24: {  	s3 =	sadd.s32 $0x88, s3;
	s6 =	simm.s32 @!p1 $0x1082;
	[sflag:s4] =	ssyncset.s32 $0xFFFFF086  }
0x25: {  	[simem:s6], [sflag:s4] =	dma.local [hbm:s3], $0xF7A  }
0x26: {  	[smem:$0x3F9F] =	sst s1;
	(tag) =	ssettag s2;
	_ =	strace s9  }
0x27: {  	s1 =	sld [smem:$0x3FAF]  }
0x28: {  	s2 =	sld [smem:$0x3FB0]  }
0x29: {  	s4 =	sld [smem:$0x3FB2]  }
0x2a: {  	p0 =	seq.s32 s5, $0x0;
	s5 =	sld [smem:$0x3FB3]  }
0x2b: {  	s6 =	sld [smem:$0x3FB4]  }
0x2c: {  	s7 =	sld [smem:$0x3FB5]  }
0x2d: {  	s3 =	simm.s32 $0x108;
	s8 =	sld [smem:$0x3FB6]  }
0x2e: {  	s3 =	simm.s32 @!p0 $0x1082;
	s9 =	sld [smem:$0x3FB7]  }
0x2f: {  	lr =	sadd.s32 s0, s3;
	s0 =	sld [smem:$0x3FAE]  }
0x30: {  	s3 =	sld [smem:$0x3FB1]  }
0x31: {  	[smem:$0x3FBA] =	sst s10  }
0x32: {  	s10 =	sld [smem:$0x3FB8];
	_ =	sdelay $0x3  }
0x33: {  	p0 =	seq.s32 s10, $0x1;
	s10 =	sld [smem:$0x3FBA];
	_ =	sdelay $0x3  }
0x34: {  	[smem:$0x3FBA] =	sst s10  }
0x35: {  	s10 =	sld [smem:$0x3FB9];
	_ =	sdelay $0x3  }
0x36: {  	p1 =	seq.s32 s10, $0x1;
	s10 =	sld [smem:$0x3FBA];
	_ =	sdelay $0x3  }
0x37: {  	[smem:$0x3FBA] =	sst s10  }
0x38: {  	s10 =	sld [smem:$0x3FBB]  }
0x39: {  	_ = 	snop;
	(pc) =	sbr.ind lr, $3  }
0x3a: {  	_ = 	snop  }
0x3b: {  	_ = 	snop  }
0x3c: {  	p2 =	seq.s32 s10, $0x1;
	s10 =	sld [smem:$0x3FBA]  }
0x3d: {  	_ =	shalt  }
0x3e: {  	_ =	shalt  }
0x3f: {  	_ =	shalt  }
0x40: {  	_ =	shalt  }
0x41: {  	_ =	shalt  }
0x42: {  	_ =	shalt  }
0x43: {  	_ =	shalt  }
0x44: {  	_ =	shalt  }
0x45: {  	_ =	shalt  }
0x46: {  	_ =	shalt  }
0x47: {  	_ =	shalt  }
0x48: {  	_ =	shalt  }
0x49: {  	_ =	shalt  }
0x4a: {  	_ =	shalt  }
0x4b: {  	_ =	shalt  }
0x4c: {  	_ =	shalt  }
0x4d: {  	_ =	shalt  }
0x4e: {  	_ =	shalt  }
0x4f: {  	_ =	shalt  }
0x50: {  	_ =	shalt  }
0x51: {  	_ =	shalt  }
0x52: {  	_ =	shalt  }
0x53: {  	_ =	shalt  }
0x54: {  	_ =	shalt  }
0x55: {  	_ =	shalt  }
0x56: {  	_ =	shalt  }
0x57: {  	_ =	shalt  }
0x58: {  	_ =	shalt  }
0x59: {  	_ =	shalt  }
0x5a: {  	_ =	shalt  }
0x5b: {  	_ =	shalt  }
0x5c: {  	_ =	shalt  }
0x5d: {  	_ =	shalt  }
0x5e: {  	_ =	shalt  }
0x5f: {  	_ =	shalt  }
0x60: {  	_ =	shalt  }
0x61: {  	_ =	shalt  }
0x62: {  	_ =	shalt  }
0x63: {  	_ =	shalt  }
0x64: {  	_ =	shalt  }
0x65: {  	_ =	shalt  }
0x66: {  	_ =	shalt  }
0x67: {  	_ =	shalt  }
0x68: {  	_ =	shalt  }
0x69: {  	_ =	shalt  }
0x6a: {  	_ =	shalt  }
0x6b: {  	_ =	shalt  }
0x6c: {  	_ =	shalt  }
0x6d: {  	_ =	shalt  }
0x6e: {  	_ =	shalt  }
0x6f: {  	_ =	shalt  }
0x70: {  	_ =	shalt  }
0x71: {  	_ =	shalt  }
0x72: {  	_ =	shalt  }
0x73: {  	_ =	shalt  }
0x74: {  	_ =	shalt  }
0x75: {  	_ =	shalt  }
0x76: {  	_ =	shalt  }
0x77: {  	_ =	shalt  }
0x78: {  	_ =	shalt  }
0x79: {  	_ =	shalt  }
0x7a: {  	_ =	shalt  }
0x7b: {  	_ =	shalt  }
0x7c: {  	_ =	shalt  }
0x7d: {  	_ =	shalt  }
0x7e: {  	_ =	shalt  }
0x7f: {  	_ =	shalt  }
0x80: {  	_ =	shalt  }
0x81: {  	_ =	shalt  }
0x82: {  	_ =	shalt  }
0x83: {  	_ =	shalt  }
0x84: {  	_ =	shalt  }
0x85: {  	_ =	shalt  }
0x86: {  	_ =	shalt  }
0x87: {  	_ =	shalt  }
.Lfunc_end0:
.L_simem_size_0:
called_computation.1_lowered:
.L_overlay_start_0:
0x88: {  	s2 =	sld [smem:$0x3FD9]  }
0x89: {  	s3 =	sld [smem:$0x3FFE];
	_ =	sdelay $0x1  }
0x8a: {  	s1 =	srdreg.scid  }
0x8b: {  	s0 =	sand.u32 $0x1, s1  }
0x8c: {  	s17 =	sshll.u32 s0, $0xA;
	s2 =	sadd.s32 s3, s2  }
0x8d: {  	s2 =	sadd.s32 s2, s17  }
0x8e: {  	[smem:$0x3FC6] =	sst s2  }
0x8f: {  	_ = 	snop  }
0x90: {  	s2 =	sld [smem:$0x3FC8]  }
0x91: {  	s18 =	sld [smem:$0x3FD0];
	(tm) =	ssettm $0x1  }
0x92: {  	s4 =	sld [smem:$0x3FFB];
	_ =	sdelay $0x3  }
0x93: {  	_ =	strace s4  }
0x94: {  	s4 =	sld [smem:$0x3FFC];
	_ =	sdelay $0x3  }
0x95: {  	_ =	strace s4  }
0x96: {  	s4 =	sld [smem:$0x3FFD];
	_ =	sdelay $0x3  }
0x97: {  	_ =	strace s4  }
0x98: {  	_ =	strace $0x8FFFFFFF  }
0x99: {  	s19 =	sld [smem:$0x3FDB];
	_ =	sdelay $0x1  }
0x9a: {  	s5 =	simm.s32 $_scs_section_size  }
0x9b: {  	s6 =	simm.s32 $_size__tile_overlayer_lowered;
	s7 =	simm.s32 $_tile_overlayer_lowered  }
0x9c: {  	s22 =	simm.s32 $0x1BFF;
	s21 =	sshll.u32 s7, $0x1;
	s4 =	sadd.s32 s5, s19  }
0x9d: {  	s8 =	simm.s32 $0x0;
	s20 =	sshll.u32 s6, $0x1;
	s6 =	sadd.s32 s21, s4  }
0x9e: {  	[timem:s8], [sflag:s22] =	dma.local [hbm:s6], s20  }
0x9f: {  	_ =	swait.ge [sflag:s22], s20  }
0xa0: {  	s5 =	ssub.s32 $0x0, s20;
	[sflag:s22] =	ssyncset.done $0x0  }
0xa1: {  	[sflag:s22] =	ssyncadd.s32 s5;
	_ =	sdelay $0x1  }
0xa2: {  	s23 =	simm.s32 $0x1B8B  }
0xa3: {  	_ =	swait.ge [sflag:s23], $0x1  }
0xa4: {  	[sflag:s23] =	ssyncset.done $0x0  }
0xa5: {  	s25 =	simm.s32 $0x1B8E;
	s24 =	sld [smem:$0x3FFE];
	[sflag:s23] =	ssyncadd.s32 $0xFFFFFFFF  }
0xa6: {  	s26 =	simm.s32 $execute0_lowered;
	[smem:$0x3FD2] =	sst s25  }
0xa7: {  	s6 =	sshll.u32 s26, $0x1;
	_ =	strace $0x80000046;
	[dreg:$0x1] =	wrdreg $0xFFFFFFFF  }
0xa8: {  	s28 =	simm.s32 $_size_execute0_lowered;
	s4 =	sadd.s32 s4, s6;
	[dreg:$0x0] =	wrdreg $0x0  }
0xa9: {  	s6 =	sshll.u32 s28, $0x1;
	[dreg:$0x2] =	wrdreg s4  }
0xaa: {  	[dreg:$0x3] =	wrdreg s6  }
0xab: {  	[dreg:$0x4] =	wrdreg $0xC0  }
0xac: {  	_ =	task [dreg:s8], $0x5FFFF  }
0xad: {  	[dreg:$0x1] =	wrdreg $0xFFFFFFFF  }
0xae: {  	[dreg:$0x0] =	wrdreg $0x60  }
0xaf: {  	[dreg:$0x2] =	wrdreg s18  }
0xb0: {  	[dreg:$0x3] =	wrdreg s2  }
0xb1: {  	[dreg:$0x4] =	wrdreg s24  }
0xb2: {  	[dreg:$0x5] =	wrdreg $0x9  }
0xb3: {  	_ =	task.clear_ibuf [dreg:s8], $0x6FFFF;
	_ =	strace $0x90000046  }
0xb4: {  	s29 =	simm.s32 $0x9;
	_ =	strace $0x80000048  }
0xb5: {  	_ =	swait.ge [sflag:s29], $0x1  }
0xb6: {  	[sflag:s29] =	ssyncadd.s32 $0xFFFFFFFF  }
0xb7: {  	_ =	strace $0x90000048  }
0xb8: {  	_ =	sfence  }
0xb9: {  	s30 =	sld [smem:$0x0];
	_ =	sdelay $0x2  }
0xba: {  	s31 =	sshll.u32 s1, $0xD;
	s1 =	sshrl.u32 s1, $0x2  }
0xbb: {  	s3 =	sand.u32 $0x4000, s31;
	s1 =	sadd.s32 s1, s30  }
0xbc: {  	s0 =	sor.u32 s3, s0;
	s1 =	sshll.u32 s1, $0x11  }
0xbd: {  	s0 =	sor.u32 s1, s0  }
0xbe: {  	s0 =	sadd.s32 $0x8F2B, s0  }
0xbf: {  	[sflag:s0] =	ssyncadd.remote.s32 $0x1  }
0xc0: {  	_ =	sfence.sel $0xFFFF  }
0xc1: {  	[dreg:$0x0] =	wrdreg $0xFFFFFFFF;
	(pc) =	sbr.abs _section_cstart, $3  }
0xc2: {  	[dreg:$0x1] =	wrdreg $0xFFFFFFFF  }
0xc3: {  	_ =	task.clear_ibuf [dreg:s8], $0x2FFFF;
	_ =	strace $0x9FFFFFFF  }
0xc4: {  	(tm) =	ssettm $0x7FFFFFFF  }
0xc5: {  	_ =	shalt  }
tec
execute0_lowered:
.L_overlay_start_1:
0x0: {  	(tag) =	ssettag $0x1  }
0x1: {  	s2 =	srdreg.scid;
	s0 =	stileid.u32  }
0x2: {  	s4 =	sand.u32 $0x1, s2;
	s29 =	sshll.u32 s0, $0x1  }
0x3: {  	s1 =	rddreg [dreg:$0x0];
	s7 =	sor.u32 s4, s29  }
0x4: {  	s6 =	rddreg [dreg:$0x1];
	s8 =	sshll.u32 s7, $0x5  }
0x5: {  	s5 =	rddreg [dreg:$0x2];
	s3 =	simm.s32 $0x0;
	s9 =	sor.u32 $0x10, s8  }
0x6: {  	s11 =	simm.s32 $0x100;
	s12 =	simm.s32 $0x1;
	s2 =	rddreg [dreg:$0x3];
	v0 =	vmov s8;
	v1 =	vmov s9  }
0x7: {  	s13 =	simm.s32 $0x200;
	s14 =	simm.s32 $0x0;
	[smem:$0x7FF] =	sst s3;
	v0 =	vmul.u32 $0x186A0, v0;
	v1 =	vmul.u32 $0x186A0, v1  }
0x8: {  	v2 =	vlaneseq.u32;
	s10 =	ssub.s32 $0x2, s4;
	_ =	strace $0x80000047;
	s4 =	sadd.s32 $0x800, s5  }
0x9: {  	v2 =	vmul.u32 $0x186A0, v2;
	s30 =	sshrl.u32 s10, $0x1;
	s5 =	smul.u32 $0x30D400, s7;
	s7 =	sshll.u32 s7, $0x2;
	v0 =	vbroadcast v0, $0x0;
	v1 =	vbroadcast v1, $0x0  }
0xa: {  	s31 =	ssub.s32 s10, s30;
	s6 =	sadd.s32 s6, s7;
	s8 =	simm.s32 $0x2  }
0xb: {  	s10 =	simm.s32 $0x80;
	s7 =	smax.u32 s31, $0x1;
	s9 =	simm.s32 $0x20;
	v0 =	vadd.s32 v2, v0;
	v1 =	vadd.s32 v2, v1  }
.LBB2_1:
0xc: {  	[tilespmem:s3], [sflag:$0x2] =	stream.linear.gather [hbm4b:s6+s3], $0x20, $0x38;
	[tilespmem:$0x5080] =	vst v63  }
0xd: {  	_ =	swait.ge [sflag:s8], $0x20  }
0xe: {  	[sflag:s8] =	ssyncset.done $0x0  }
0xf: {  	[sflag:s8] =	ssyncadd.s32 $0xFFFFFFE0  }
0x10: {  	v2 =	vld [tilespmem:$0x0]  }
0x11: {  	v3 =	vld [tilespmem:$0x10];
	_ =	sdelay $0x3  }
0x12: {  	v4 =	vadd.s32 v2, v0;
	v2 =	vshra.s32 v2, $0x1F  }
0x13: {  	v61 =	vadd.s32 v3, v1;
	v3 =	vshra.s32 v3, $0x1F;
	v2 =	vor.u32 v4, v2  }
0x14: {  	[tilespmem:$0x80] =	vst v2;
	v2 =	vor.u32 v61, v3  }
0x15: {  	[tilespmem:$0x90] =	vst v2  }
0x16: {  	[tilespmem:s11], [sflag:$0x1] =	stream.indirect.gather [hbm4b:s1+s9], $0x1, s10, s9, $0xb8;
	[tilespmem:$0x5080] =	vst v63  }
0x17: {  	_ =	swait.ge [sflag:s12], $0x20  }
0x18: {  	[sflag:s12] =	ssyncset.done $0x0  }
0x19: {  	[sflag:s12] =	ssyncadd.s32 $0xFFFFFFE0  }
0x1a: {  	v2 =	vld [tilespmem:$0x100]  }
0x1b: {  	v3 =	vld [tilespmem:$0x110];
	_ =	sdelay $0x3  }
0x1c: {  	v62 =	vmul.f32 v2, v2  }
0x1d: {  	v5 =	vmul.f32 v3, v3  }
0x1e: {  	v4 =	vsub.f32 $1.000000000e+00, v62  }
0x1f: {  	v5 =	vsub.f32 $1.000000000e+00, v5  }
0x20: {  	v4 =	vmax.f32 v4, $9.999999960e-13  }
0x21: {  	v5 =	vmax.f32 v5, $9.999999960e-13;
	v6 =	vshrl.u32 v4, $0x1;
	v7 =	vmul.f32 $5.000000000e-01, v4  }
0x22: {  	v8 =	vshrl.u32 v5, $0x1;
	v9 =	vmul.f32 $5.000000000e-01, v5;
	v6 =	vsub.s32 $0x5F3759DF, v6  }
0x23: {  	v8 =	vsub.s32 $0x5F3759DF, v8;
	v10 =	vmul.f32 v6, v7  }
0x24: {  	v11 =	vmul.f32 v8, v9  }
0x25: {  	v10 =	vmul.f32 v6, v10  }
0x26: {  	v11 =	vmul.f32 v8, v11  }
0x27: {  	v10 =	vsub.f32 $1.500000000e+00, v10  }
0x28: {  	v11 =	vsub.f32 $1.500000000e+00, v11  }
0x29: {  	v6 =	vmul.f32 v6, v10  }
0x2a: {  	v8 =	vmul.f32 v8, v11  }
0x2b: {  	v10 =	vmul.f32 v6, v7  }
0x2c: {  	v11 =	vmul.f32 v8, v9  }
0x2d: {  	v10 =	vmul.f32 v10, v6  }
0x2e: {  	v11 =	vmul.f32 v11, v8  }
0x2f: {  	v10 =	vsub.f32 $1.500000000e+00, v10  }
0x30: {  	v11 =	vsub.f32 $1.500000000e+00, v11  }
0x31: {  	v6 =	vmul.f32 v10, v6  }
0x32: {  	v8 =	vmul.f32 v11, v8  }
0x33: {  	v10 =	vmul.f32 v6, v7  }
0x34: {  	v11 =	vmul.f32 v8, v9  }
0x35: {  	v10 =	vmul.f32 v10, v6  }
0x36: {  	v11 =	vmul.f32 v11, v8  }
0x37: {  	v10 =	vsub.f32 $1.500000000e+00, v10  }
0x38: {  	v11 =	vsub.f32 $1.500000000e+00, v11  }
0x39: {  	v6 =	vmul.f32 v10, v6  }
0x3a: {  	v8 =	vmul.f32 v11, v8  }
0x3b: {  	v7 =	vmul.f32 v6, v7  }
0x3c: {  	v9 =	vmul.f32 v8, v9  }
0x3d: {  	v7 =	vmul.f32 v7, v6  }
0x3e: {  	v9 =	vmul.f32 v9, v8  }
0x3f: {  	v7 =	vsub.f32 $1.500000000e+00, v7  }
0x40: {  	v9 =	vsub.f32 $1.500000000e+00, v9  }
0x41: {  	v6 =	vmul.f32 v7, v6  }
0x42: {  	v63 =	vmul.f32 v9, v8  }
0x43: {  	v4 =	vmul.f32 v6, v4  }
0x44: {  	v5 =	vmul.f32 v63, v5  }
0x45: {  	v2 =	vmul.f32 $5.616528320e+01, v2;
	v4 =	vmul.f32 $3.068323520e+01, v4  }
0x46: {  	v3 =	vmul.f32 $5.616528320e+01, v3;
	v5 =	vmul.f32 $3.068323520e+01, v5  }
0x47: {  	v2 =	vsub.f32 v2, v4  }
0x48: {  	v3 =	vsub.f32 v3, v5  }
0x49: {  	[tilespmem:$0x180] =	vst v2  }
0x4a: {  	s15 =	simm.s32 $0x0;
	[tilespmem:$0x190] =	vst v3  }
.LBB2_2:
0x4b: {  	s16 =	smul.u32 $0x4E20, s15;
	_ =	sdelay $0x1  }
0x4c: {  	s17 =	sadd.s32 s5, s16  }
0x4d: {  	s16 =	sshrl.u32 s17, $0x3  }
0x4e: {  	s18 =	sadd.s32 s1, s16  }
0x4f: {  	[tilespmem:s13], [sflag:$0x2] =	stream.linear.gather [hbm4b:s18+s3], $0x4E20, $0x38;
	[tilespmem:$0x5080] =	vst v63  }
0x50: {  	_ =	swait.ge [sflag:s8], $0x4E20  }
0x51: {  	[sflag:s8] =	ssyncset.done $0x0  }
0x52: {  	s18 =	simm.s32 $0x240;
	[sflag:s8] =	ssyncadd.s32 $0xFFFFB1E0  }
0x53: {  	v3 =	vld [tilespmem:s18+$0xFFFFFFC0];
	_ =	sdelay $0x1  }
0x54: {  	v6 =	vld [tilespmem:s18+$0xFFFFFFD0]  }
0x55: {  	v8 =	vld [tilespmem:s18+$0xFFFFFFE0]  }
0x56: {  	v4 =	vld [tilespmem:s18+$0x0]  }
0x57: {  	v2 =	vld [tilespmem:s18+$0x10];
	v7 =	vmul.f32 $6.400000000e+01, v3  }
0x58: {  	v5 =	vld [tilespmem:s18+$0x20]  }
0x59: {  	v3 =	vld [tilespmem:s18+$0x30];
	[tilespmem:s18+$0xFFFFFFC0] =	vst v7;
	v7 =	vmul.f32 $6.400000000e+01, v6  }
0x5a: {  	s19 =	simm.s32 $0x0;
	s20 =	simm.s32 $0x2C0;
	v8 =	vmul.f32 $6.400000000e+01, v8;
	v6 =	vld [tilespmem:s18+$0xFFFFFFF0]  }
.LBB2_3:
0x5b: {  	v9 =	vld [tilespmem:s20+$0xFFFFFFC0];
	[tilespmem:s18+$0xFFFFFFD0] =	vst v7;
	v4 =	vmul.f32 $6.400000000e+01, v4  }
0x5c: {  	s19 =	sadd.s32 $0x8, s19;
	v7 =	vld [tilespmem:s20+$0xFFFFFFD0];
	[tilespmem:s18+$0xFFFFFFE0] =	vst v8;
	v2 =	vmul.f32 $6.400000000e+01, v2  }
0x5d: {  	p0 =	slt.u32 s19, $0x4D8;
	v8 =	vld [tilespmem:s20+$0xFFFFFFE0];
	[tilespmem:s18+$0x0] =	vst v4;
	v5 =	vmul.f32 $6.400000000e+01, v5  }
.Ltmp0:
0x5e: {  	v4 =	vld [tilespmem:s20+$0x0];
	[tilespmem:s18+$0x10] =	vst v2;
	v3 =	vmul.f32 $6.400000000e+01, v3;
	(pc) =	sbr.rel @p0 .LBB2_3-.Ltmp0, $4  }
0x5f: {  	v2 =	vld [tilespmem:s20+$0x10];
	v6 =	vmul.f32 $6.400000000e+01, v6;
	[tilespmem:s18+$0x20] =	vst v5  }
0x60: {  	v9 =	vmul.f32 $6.400000000e+01, v9;
	v5 =	vld [tilespmem:s20+$0x20];
	[tilespmem:s18+$0x30] =	vst v3  }
0x61: {  	v7 =	vmul.f32 $6.400000000e+01, v7;
	v3 =	vld [tilespmem:s20+$0x30];
	[tilespmem:s18+$0xFFFFFFF0] =	vst v6;
	s18 =	smov.u32 s20  }
0x62: {  	s20 =	sadd.s32 $0x80, s20;
	[tilespmem:s18+$0xFFFFFFC0] =	vst v9;
	v8 =	vmul.f32 $6.400000000e+01, v8;
	v6 =	vld [tilespmem:s18+$0xFFFFFFF0]  }
0x63: {  	[tilespmem:s18+$0xFFFFFFD0] =	vst v7;
	v4 =	vmul.f32 $6.400000000e+01, v4  }
0x64: {  	[tilespmem:s18+$0xFFFFFFE0] =	vst v8;
	v2 =	vmul.f32 $6.400000000e+01, v2  }
0x65: {  	[tilespmem:s18+$0x0] =	vst v4;
	v61 =	vmul.f32 $6.400000000e+01, v5  }
0x66: {  	[tilespmem:s18+$0x10] =	vst v2;
	v2 =	vmul.f32 $6.400000000e+01, v3  }
0x67: {  	v3 =	vmul.f32 $6.400000000e+01, v6;
	[tilespmem:s18+$0x20] =	vst v61  }
0x68: {  	[tilespmem:s18+$0x30] =	vst v2  }
0x69: {  	[tilespmem:s18+$0xFFFFFFF0] =	vst v3  }
0x6a: {  	v2 =	vld [tilespmem:$0x80];
	_ =	sdelay $0x2  }
0x6b: {  	v3 =	vld [tilespmem:$0x5000]  }
0x6c: {  	s31 =	sadd.s32 $0x4E20, s17;
	v4 =	vld [tilespmem:$0x5010]  }
0x6d: {  	vm0 =	vge.s32 v2, s17;
	vm1 =	vlt.s32 v2, s31  }
0x6e: {  	v62 =	vmov s17;
	vm0 =	vmand vm0, vm1  }
0x6f: {  	v63 =	vld [tilespmem:$0x180];
	v2 =	vsub.s32 v2, v62  }
0x70: {  	v3 =	vmul.f32 $6.400000000e+01, v3  }
0x71: {  	v4 =	vmul.f32 $6.400000000e+01, v4  }
0x72: {  	[tilespmem:$0x5000] =	vst v3  }
0x73: {  	[tilespmem:$0x5010] =	vst v4  }
0x74: {  	[tilespmem:v2+s13+$0x0] =	vst.idx.msk vm0, v63  }
0x75: {  	v2 =	vld [tilespmem:$0x90];
	_ =	sdelay $0x4  }
0x76: {  	vm14 =	vge.s32 v2, s17;
	vm15 =	vlt.s32 v2, s31  }
0x77: {  	vm0 =	vmand vm14, vm15  }
0x78: {  	v3 =	vld [tilespmem:$0x190];
	v2 =	vsub.s32 v2, v62;
	_ =	sdelay $0x2  }
0x79: {  	s15 =	sadd.s32 $0x1, s15  }
0x7a: {  	p0 =	sne.s32 s15, $0xA0  }
.Ltmp1:
0x7b: {  	s16 =	sadd.s32 s4, s16;
	[tilespmem:v2+s13+$0x0] =	vst.idx.msk vm0, v3;
	(pc) =	sbr.rel @p0 .LBB2_2-.Ltmp1, $4  }
0x7c: {  	[hbm4b:s16+s3] =	stream.linear.scatter [tilespmem:s13], [sflag:$0x2], $0x4E20, $0x38;
	[tilespmem:$0x5080] =	vst v63  }
0x7d: {  	_ =	swait.ge [sflag:s8], $0x4E20  }
0x7e: {  	[sflag:s8] =	ssyncset.done $0x0  }
0x7f: {  	[sflag:s8] =	ssyncadd.s32 $0xFFFFB1E0  }
0x80: {  	s14 =	sadd.s32 $0x1, s14  }
0x81: {  	p0 =	sne.s32 s14, s7  }
.Ltmp2:
0x82: {  	_ = 	snop;
	(pc) =	sbr.rel @p0 .LBB2_1-.Ltmp2, $1  }
0x83: {  	_ =	sdelay $0x3  }
0x84: {  	_ =	sfence.sel $0x180000  }
0x85: {  	[bflag:$0x0] =	sbarrier.arrive $0xFFFF  }
0x86: {  	p0 =	sne.s32 s0, $0x0;
	_ =	strace $0x90000047  }
0x87: {  	s0 =	sadd.s32 @!p0 $0x100000, s2;
	[bflag:$0x2] =	sbarrier.arrive $0xFFFF  }
0x88: {  	[sflag:s0] =	ssyncadd.tile.s32 @!p0 $0x1;
	_ =	shalt  }
.Lfunc_end2:
_tile_overlayer_lowered:
.L_overlay_start_2:
0x89: {  	(tag) =	ssettag $0x2  }
0x8a: {  	s0 =	rddreg [dreg:$0x0];
	s2 =	stileid.u32  }
0x8b: {  	s1 =	rddreg [dreg:$0x1];
	p0 =	sne.s32 s2, $0x0  }
0x8c: {  	s3 =	rddreg [dreg:$0x2];
	[bflag:$0x3] =	sbarrier.arrive $0xFFFF;
	s2 =	simm.s32 @!p0 $0x1C02  }
0x8d: {  	[timem:s3], [sflag:s2] =	dma.local @!p0 [hbm:s0], s1  }
0x8e: {  	s0 =	simm.s32 @!p0 $0x2  }
0x8f: {  	_ =	swait.ge @!p0 [sflag:s0], s1  }
0x90: {  	s1 =	ssub.s32 @!p0 $0x0, s1;
	[sflag:s0] =	ssyncset.done @!p0 $0x0  }
0x91: {  	[sflag:s0] =	ssyncadd.s32 @!p0 s1  }
0x92: {  	[bflag:$0x3] =	sbarrier.arrive $0xFFFF  }
0x93: {  	_ =	shalt  }

// kernel: sparse-core-data-format-call.cloned.1.call-start
scs
called_computation_lowered:
.L_overlay_start_0:
0x0: {  	s2 =	sld [smem:$0x3FD9]  }
0x1: {  	s3 =	sld [smem:$0x3FFE];
	_ =	sdelay $0x1  }
0x2: {  	s1 =	srdreg.scid  }
0x3: {  	s0 =	sand.u32 $0x1, s1  }
0x4: {  	s18 =	sshll.u32 s0, $0xA;
	s2 =	sadd.s32 s3, s2  }
0x5: {  	s2 =	sadd.s32 s2, s18  }
0x6: {  	[smem:$0x3FC6] =	sst s2  }
0x7: {  	_ = 	snop  }
0x8: {  	s2 =	sld [smem:$0x3FD0];
	(tm) =	ssettm $0x1  }
0x9: {  	s19 =	sld [smem:$0x3FFB];
	_ =	sdelay $0x3  }
0xa: {  	_ =	strace s19  }
0xb: {  	s3 =	sld [smem:$0x3FFC];
	_ =	sdelay $0x3  }
0xc: {  	_ =	strace s3  }
0xd: {  	s3 =	sld [smem:$0x3FFD];
	_ =	sdelay $0x3  }
0xe: {  	_ =	strace s3  }
0xf: {  	_ =	strace $0x8FFFFFFF  }
0x10: {  	s20 =	sld [smem:$0x3FDB];
	_ =	sdelay $0x1  }
0x11: {  	s4 =	simm.s32 $_scs_section_size  }
0x12: {  	s5 =	simm.s32 $_size__tile_overlayer_lowered;
	s6 =	simm.s32 $_tile_overlayer_lowered  }
0x13: {  	s23 =	simm.s32 $0x1BFF;
	s22 =	sshll.u32 s6, $0x1;
	s3 =	sadd.s32 s4, s20  }
0x14: {  	s7 =	simm.s32 $0x0;
	s21 =	sshll.u32 s5, $0x1;
	s5 =	sadd.s32 s22, s3  }
0x15: {  	[timem:s7], [sflag:s23] =	dma.local [hbm:s5], s21  }
0x16: {  	_ =	swait.ge [sflag:s23], s21  }
0x17: {  	s4 =	ssub.s32 $0x0, s21;
	[sflag:s23] =	ssyncset.done $0x0  }
0x18: {  	[sflag:s23] =	ssyncadd.s32 s4;
	_ =	sdelay $0x1  }
0x19: {  	s24 =	simm.s32 $0x1B8B  }
0x1a: {  	_ =	swait.ge [sflag:s24], $0x1  }
0x1b: {  	[sflag:s24] =	ssyncset.done $0x0  }
0x1c: {  	s26 =	simm.s32 $0x1B8E;
	s25 =	sld [smem:$0x3FFE];
	[sflag:s24] =	ssyncadd.s32 $0xFFFFFFFF  }
0x1d: {  	s27 =	simm.s32 $execute0_lowered;
	[smem:$0x3FD2] =	sst s26  }
0x1e: {  	s5 =	sshll.u32 s27, $0x1;
	_ =	strace $0x80000049;
	[dreg:$0x1] =	wrdreg $0xFFFFFFFF  }
0x1f: {  	s28 =	simm.s32 $_size_execute0_lowered;
	s3 =	sadd.s32 s3, s5;
	[dreg:$0x0] =	wrdreg $0x0  }
0x20: {  	s5 =	sshll.u32 s28, $0x1;
	[dreg:$0x2] =	wrdreg s3  }
0x21: {  	[dreg:$0x3] =	wrdreg s5  }
0x22: {  	[dreg:$0x4] =	wrdreg $0xC0  }
0x23: {  	_ =	task [dreg:s7], $0x5FFFF  }
0x24: {  	[dreg:$0x1] =	wrdreg $0xFFFFFFFF  }
0x25: {  	[dreg:$0x0] =	wrdreg $0x60  }
0x26: {  	[dreg:$0x2] =	wrdreg s25  }
0x27: {  	[dreg:$0x3] =	wrdreg s2  }
0x28: {  	[dreg:$0x4] =	wrdreg $0x9  }
0x29: {  	_ =	task.clear_ibuf [dreg:s7], $0x5FFFF;
	_ =	strace $0x90000049  }
0x2a: {  	s29 =	simm.s32 $0x9;
	_ =	strace $0x8000004B  }
0x2b: {  	_ =	swait.ge [sflag:s29], $0x1  }
0x2c: {  	[sflag:s29] =	ssyncadd.s32 $0xFFFFFFFF  }
0x2d: {  	_ =	strace $0x9000004B  }
0x2e: {  	_ =	sfence  }
0x2f: {  	s30 =	sld [smem:$0x0];
	_ =	sdelay $0x2  }
0x30: {  	s31 =	sshll.u32 s1, $0xD;
	s1 =	sshrl.u32 s1, $0x2  }
0x31: {  	s3 =	sand.u32 $0x4000, s31;
	s1 =	sadd.s32 s1, s30  }
0x32: {  	s0 =	sor.u32 s3, s0;
	s1 =	sshll.u32 s1, $0x11  }
0x33: {  	s0 =	sor.u32 s1, s0  }
0x34: {  	s0 =	sadd.s32 $0x8F2B, s0  }
0x35: {  	[sflag:s0] =	ssyncadd.remote.s32 $0x1  }
0x36: {  	_ =	sfence.sel $0xFFFF  }
0x37: {  	[dreg:$0x0] =	wrdreg $0xFFFFFFFF;
	(pc) =	sbr.abs _section_cstart, $3  }
0x38: {  	[dreg:$0x1] =	wrdreg $0xFFFFFFFF  }
0x39: {  	_ =	task.clear_ibuf [dreg:s7], $0x2FFFF;
	_ =	strace $0x9FFFFFFF  }
0x3a: {  	(tm) =	ssettm $0x7FFFFFFF  }
0x3b: {  	_ =	shalt  }
tec
execute0_lowered:
.L_overlay_start_1:
0x0: {  	(tag) =	ssettag $0x1  }
0x1: {  	s0 =	stileid.u32  }
0x2: {  	s2 =	srdreg.scid;
	s7 =	rddreg [dreg:$0x0]  }
0x3: {  	s6 =	simm.s32 $0x1;
	s31 =	simm.s32 $0x2;
	s16 =	simm.s32 $0x0  }
0x4: {  	s9 =	simm.s32 $0x2000;
	s15 =	simm.s32 $0x0;
	s10 =	simm.s32 $0x0  }
0x5: {  	s11 =	simm.s32 $0x0;
	s14 =	simm.s32 $0x0;
	s1 =	sshll.u32 s0, $0x7  }
0x6: {  	s3 =	sshll.u32 s0, $0x4;
	s2 =	sshll.u32 s2, $0x8;
	s1 =	sand.u32 $0x380, s1  }
0x7: {  	s7 =	sadd.s32 $0xC35800, s7;
	s2 =	sor.u32 s3, s2;
	s5 =	ssub.s32 $0x400, s1  }
0x8: {  	s3 =	rddreg [dreg:$0x1];
	s4 =	sand.u32 $0x180, s2;
	s29 =	sand.u32 $0x380, s5  }
0x9: {  	s30 =	ssub.s32 $0x18680, s4;
	s5 =	sshrl.u32 s5, $0xA;
	p0 =	sne.s32 s29, $0x0  }
.Ltmp0:
0xa: {  	s8 =	sshrl.u32 s30, $0x9;
	s6 =	simm.s32 @!p0 $0x0;
	(pc) =	sbr.rel .LBB1_1-.Ltmp0, $4  }
0xb: {  	s2 =	rddreg [dreg:$0x2];
	s8 =	sadd.s32 $0x1, s8;
	s6 =	sadd.s32 s6, s5  }
0xc: {  	_ =	strace $0x8000004A;
	s5 =	simm.s32 $0x1;
	s6 =	smul.u32 s6, s8  }
0xd: {  	s13 =	smov.u32 s1;
	s12 =	smov.u32 s4;
	[sflag:s5] =	ssyncpa.u1 $0x0  }
0xe: {  	p0 =	por $0x0, $0x0;
	[sflag:s31] =	ssyncpa.u1 $0x0;
	s8 =	sadd.s32 $0x1, s6  }
.LBB1_4:
0xf: {  	s21 =	sshra.s32 s21, $0x2;
	s27 =	sshll.u32 s10, $0xA;
	s22 =	sshll.u32 s11, $0x3  }
0x10: {  	s23 =	sshll.u32 s10, $0x7;
	s24 =	sand.u32 $0x78, s11;
	p1 =	sgt.s32 s10, $0x18620  }
0x11: {  	s25 =	sshra.s32 s10, $0x1F;
	s26 =	sshra.s32 s11, $0x1F;
	s20 =	sadd.s32 s21, s20  }
0x12: {  	v5 =	vld [tilespmem:s18+$0xFFFFFFD0];
	[tilespmem:s19+$0x2040 ss:$0x81] =	vst.msk $0xffff, v4;
	s21 =	sand.u32 $0xFFFFE000, s27;
	s22 =	sand.u32 $0xFFFFFC00, s22;
	s28 =	sand.u32 $0x380, s23  }
0x13: {  	v58 =	vld [tilespmem:s18+$0xFFFFFFE0];
	[tilespmem:s19+$0x2850 ss:$0x81] =	vst.msk $0xffff, v3;
	s23 =	smov.u32 s10;
	s30 =	sand.u32 s25, s10;
	s25 =	smov.u32 s11  }
0x14: {  	v59 =	vld [tilespmem:s18+$0xFFFFFFF0];
	[tilespmem:s19+$0x3060 ss:$0x81] =	vst.msk $0xffff, v2;
	s31 =	sand.u32 s26, s11;
	s21 =	sadd.s32 s22, s21;
	s22 =	sor.u32 s24, s28  }
0x15: {  	v60 =	vld [tilespmem:s18+$0x0];
	[tilespmem:s19+$0x0 ss:$0x81] =	vst.msk $0xffff, v1;
	s23 =	simm.s32 @!p1 $0x18620;
	p1 =	sgt.s32 s11, $0x380;
	s21 =	sshrl.u32 s21, $0xA  }
0x16: {  	v61 =	vld [tilespmem:s18+$0x10];
	[tilespmem:s20+$0x3870 ss:$0x81] =	vst.msk $0xffff, v0;
	s19 =	ssub.s32 s23, s30;
	s25 =	simm.s32 @!p1 $0x380;
	s29 =	smulhi.u32 $0x53E2D7, s21  }
0x17: {  	v62 =	vld [tilespmem:s18+$0x20];
	s23 =	ssub.s32 s25, s31;
	s26 =	sadd.s32 $0xFFFE79E0, s19;
	s19 =	ssub.s32 $0x186A0, s19;
	[tilespmem:s20+$0x810 ss:$0x81] =	vst.msk $0xffff, v5  }
0x18: {  	v63 =	vld [tilespmem:s18+$0xFFFFFFC0];
	[tilespmem:s20+$0x1020 ss:$0x81] =	vst.msk $0xffff, v58;
	p1 =	sgt.s32 s26, $0x7F;
	s28 =	sadd.s32 $0xFFFFFC80, s23;
	s24 =	sshrl.u32 s29, $0x7  }
0x19: {  	[tilespmem:s20+$0x1830 ss:$0x81] =	vst.msk $0xffff, v59;
	s23 =	ssub.s32 $0x400, s23;
	p2 =	sgt.s32 s28, $0x7F;
	s27 =	smul.u32 $0x186A0, s24  }
0x1a: {  	s30 =	sand.u32 $0x7, s11;
	[tilespmem:s20+$0x2040 ss:$0x81] =	vst.msk $0xffff, v60;
	s19 =	simm.s32 @p1 $0x0;
	s23 =	simm.s32 @p2 $0x0  }
0x1b: {  	[tilespmem:s20+$0x2850 ss:$0x81] =	vst.msk $0xffff, v61;
	s29 =	sshrl.u32 s22, $0x3;
	s19 =	smul.u32 s23, s19;
	s18 =	ssub.s32 s21, s27  }
0x1c: {  	[tilespmem:s20+$0x3060 ss:$0x81] =	vst.msk $0xffff, v62;
	s22 =	sshll.u32 s30, $0x12;
	s21 =	sadd.s32 s3, s29;
	s18 =	sshll.u32 s18, $0x7  }
0x1d: {  	[tilespmem:s20+$0x0 ss:$0x81] =	vst.msk $0xffff, v63;
	s31 =	sor.u32 $0x400, s22;
	s19 =	sand.u32 $0x3FFFFFFF, s19;
	s18 =	sadd.s32 s18, s21  }
0x1e: {  	[hbm4b:s18+s31] =	stream.strided.scatter [tilespmem:s17], [sflag:$0x2], s19, s9, s31, $0x20;
	[tilespmem:$0x10100] =	vst v63  }
.LBB1_5:
0x1f: {  	p1 =	slt.u32 s14, $0x2  }
0x20: {  	s18 =	smov.u32 s16;
	p2 =	sgt.s32 @!p1 s16, $0x18620;
	s17 =	sshra.s32 @!p1 s16, $0x1F  }
0x21: {  	p3 =	sgt.s32 @!p1 s15, $0x380;
	s19 =	sshra.s32 @!p1 s15, $0x1F;
	p2 =	por !p2, p1  }
0x22: {  	s16 =	sand.u32 @!p1 s17, s16;
	p3 =	por !p3, p1;
	s17 =	smov.u32 s15  }
0x23: {  	s15 =	sand.u32 @!p1 s19, s15;
	s18 =	simm.s32 @p2 $0x18620;
	s17 =	simm.s32 @p3 $0x380  }
0x24: {  	s16 =	ssub.s32 @!p1 s18, s16;
	s15 =	ssub.s32 @!p1 s17, s15  }
0x25: {  	s19 =	smov.u32 s13;
	s17 =	sadd.s32 @!p1 $0xFFFE79E0, s16;
	s18 =	sadd.s32 @!p1 $0xFFFFFC80, s15  }
0x26: {  	s16 =	ssub.s32 @!p1 $0x186A0, s16;
	p2 =	sgt.s32 @!p1 s17, $0x7F;
	p3 =	sgt.s32 @!p1 s18, $0x7F  }
0x27: {  	s15 =	ssub.s32 @!p1 $0x400, s15;
	p2 =	por !p2, p1;
	p3 =	por !p3, p1  }
0x28: {  	s17 =	sadd.s32 $0x200, s12;
	s16 =	simm.s32 @!p2 $0x0;
	s15 =	simm.s32 @!p3 $0x0  }
0x29: {  	p2 =	sgt.s32 s17, $0x1869F;
	s15 =	smul.u32 @!p1 s15, s16;
	s16 =	sadd.s32 $0x400, s13  }
0x2a: {  	s19 =	smov.u32 @p2 s16  }
0x2b: {  	s17 =	smov.u32 @p2 s4;
	p2 =	sgt.s32 s19, $0x3FF  }
0x2c: {  	s19 =	smov.u32 @p2 s1;
	p2 =	sne.s32 s14, s8  }
.Ltmp1:
0x2d: {  	p0 =	por !p0, !p0;
	s18 =	simm.s32 @!p1 $0x2;
	(pc) =	sbr.rel @!p2 .LBB1_6-.Ltmp1, $4  }
0x2e: {  	s16 =	smov.u32 s10;
	s10 =	smov.u32 s12;
	s15 =	sand.u32 @!p1 $0x3FFFFFFF, s15  }
0x2f: {  	s12 =	smov.u32 s17;
	_ =	swait.ge @!p1 [sflag:s18], s15;
	s20 =	ssub.s32 @!p1 $0x0, s15  }
0x30: {  	s15 =	smov.u32 s11;
	s14 =	sadd.s32 $0x1, s14;
	[sflag:s18] =	ssyncset.done @!p1 $0x0  }
0x31: {  	s11 =	smov.u32 s13;
	s13 =	smov.u32 s19;
	[sflag:s18] =	ssyncadd.s32 @!p1 s20  }
.LBB1_1:
0x32: {  	p1 =	sge.u32 s14, s6  }
0x33: {  	s17 =	sshrl.u32 @!p1 s13, $0x3  }
0x34: {  	s18 =	sshll.u32 @!p1 s12, $0x3;
	s17 =	smul.u32 @!p1 $0xC3800, s17  }
0x35: {  	s19 =	sshll.u32 @!p1 s13, $0x7;
	s18 =	sand.u32 @!p1 $0xFFFFFC00, s18  }
0x36: {  	s17 =	sadd.s32 @!p1 s17, s18;
	s18 =	sand.u32 @!p1 $0x380, s19  }
0x37: {  	s19 =	sand.u32 @!p1 $0x7F, s12;
	s17 =	sor.u32 @!p1 s18, s17  }
0x38: {  	s18 =	sor.u32 @!p1 s19, s17  }
0x39: {  	s19 =	smulhi.u32 @!p1 $0xA79C7B17, s18;
	_ =	sdelay $0x1  }
0x3a: {  	s17 =	smulhi.u32 @!p1 $0xA79C7B17, s17;
	s19 =	sshrl.u32 @!p1 s19, $0x10  }
0x3b: {  	s19 =	smul.u32 @!p1 $0x18700, s19  }
0x3c: {  	s31 =	sadd.s32 $0xFFFFFFFF, s14;
	s20 =	sxor.u32 @!p1 $0xFFFFFFFF, s14;
	s17 =	sshrl.u32 @!p1 s17, $0x10  }
0x3d: {  	s20 =	sshll.u32 @!p1 s20, $0xE;
	s17 =	sand.u32 @!p1 $0x3FF, s17;
	s18 =	ssub.s32 @!p1 s18, s19  }
0x3e: {  	s17 =	smul.u32 @!p1 $0x30E0, s17;
	s19 =	sshrl.u32 @!p1 s18, $0x3;
	s18 =	sand.u32 @!p1 $0x7, s18  }
0x3f: {  	s20 =	sand.u32 @!p1 $0x4000, s20;
	s19 =	sadd.s32 @!p1 s7, s19;
	s18 =	sshll.u32 @!p1 s18, $0x12  }
0x40: {  	s17 =	sadd.s32 @!p1 s17, s19;
	s18 =	sor.u32 @!p1 $0x400, s18;
	s19 =	simm.s32 @!p1 $0xC3800  }
0x41: {  	[tilespmem:s20], [sflag:$0x1] =	stream.strided.gather @!p1 [hbm4b:s17+s18], $0x4000, s19, s18, $0x38;
	[tilespmem:$0x10100] =	vst v63  }
0x42: {  	p1 =	sge.u32 s31, s6  }
.Ltmp2:
0x43: {  	_ = 	snop;
	(pc) =	sbr.rel @p1 .LBB1_5-.Ltmp2, $1  }
0x44: {  	_ =	sdelay $0x3  }
0x45: {  	s17 =	simm.s32 $0x1  }
0x46: {  	_ =	swait.ge [sflag:s5], $0x4000;
	s17 =	simm.s32 @!p0 $0x0  }
0x47: {  	[sflag:s5] =	ssyncset.done $0x0;
	s18 =	sshll.u32 s17, $0xE  }
0x48: {  	[sflag:s5] =	ssyncadd.s32 $0xFFFFC000;
	s18 =	sor.u32 $0x40, s18  }
0x49: {  	s17 =	smul.u32 $0x10200, s17;
	v0 =	vld [tilespmem:s18+$0x30]  }
0x4a: {  	v1 =	vld [tilespmem:s18+$0xFFFFFFD0]  }
0x4b: {  	s17 =	sshrl.u32 s17, $0x2;
	v5 =	vld [tilespmem:s18+$0xFFFFFFE0]  }
0x4c: {  	v6 =	vld [tilespmem:s18+$0xFFFFFFF0];
	s20 =	sor.u32 $0x8000, s17  }
0x4d: {  	s31 =	sand.u32 $0x1, s14;
	v4 =	vld [tilespmem:s18+$0x0];
	s19 =	sadd.s32 $0x0, s20  }
0x4e: {  	v3 =	vld [tilespmem:s18+$0x10];
	s17 =	smul.u32 $0x10200, s31;
	[tilespmem:s19+$0x3870 ss:$0x81] =	vst.msk $0xffff, v0  }
0x4f: {  	v2 =	vld [tilespmem:s18+$0x20];
	[tilespmem:s19+$0x810 ss:$0x81] =	vst.msk $0xffff, v1  }
0x50: {  	s17 =	sshrl.u32 s17, $0x2;
	v1 =	vld [tilespmem:s18+$0xFFFFFFC0];
	[tilespmem:s19+$0x1020 ss:$0x81] =	vst.msk $0xffff, v5;
	s18 =	sadd.s32 $0x80, s18  }
0x51: {  	s21 =	simm.s32 $0x4;
	s22 =	simm.s32 $0x8;
	s17 =	sor.u32 $0x8000, s17;
	[tilespmem:s19+$0x1830 ss:$0x81] =	vst.msk $0xffff, v6;
	v0 =	vld [tilespmem:s18+$0x30]  }
.LBB1_3:
0x52: {  	p1 =	sne.s32 s22, $0x1FC;
	v5 =	vld [tilespmem:s18+$0xFFFFFFD0];
	[tilespmem:s19+$0x2040 ss:$0x81] =	vst.msk $0xffff, v4  }
0x53: {  	v6 =	vld [tilespmem:s18+$0xFFFFFFE0];
	[tilespmem:s19+$0x2850 ss:$0x81] =	vst.msk $0xffff, v3  }
0x54: {  	s23 =	sshra.s32 s21, $0x2;
	s21 =	smov.u32 s22;
	v7 =	vld [tilespmem:s18+$0xFFFFFFF0];
	[tilespmem:s19+$0x3060 ss:$0x81] =	vst.msk $0xffff, v2  }
.Ltmp3:
0x55: {  	v4 =	vld [tilespmem:s18+$0x0];
	[tilespmem:s19+$0x0 ss:$0x81] =	vst.msk $0xffff, v1;
	s19 =	sadd.s32 s23, s20;
	(pc) =	sbr.rel @p1 .LBB1_3-.Ltmp3, $4  }
0x56: {  	v3 =	vld [tilespmem:s18+$0x10];
	[tilespmem:s19+$0x3870 ss:$0x81] =	vst.msk $0xffff, v0  }
0x57: {  	[tilespmem:s19+$0x810 ss:$0x81] =	vst.msk $0xffff, v5;
	v2 =	vld [tilespmem:s18+$0x20]  }
0x58: {  	v1 =	vld [tilespmem:s18+$0xFFFFFFC0];
	[tilespmem:s19+$0x1020 ss:$0x81] =	vst.msk $0xffff, v6;
	s18 =	sadd.s32 $0x80, s18  }
0x59: {  	s22 =	sadd.s32 $0x4, s22;
	v0 =	vld [tilespmem:s18+$0x30];
	[tilespmem:s19+$0x1830 ss:$0x81] =	vst.msk $0xffff, v7  }
.Ltmp4:
0x5a: {  	_ = 	snop;
	(pc) =	sbr.rel .LBB1_4-.Ltmp4, $1  }
0x5b: {  	_ =	sdelay $0x3  }
.LBB1_6:
0x5c: {  	_ =	sfence.sel $0x180000  }
0x5d: {  	s1 =	simm.s32 $0x1;
	[bflag:$0x0] =	sbarrier.arrive $0xFFFF  }
0x5e: {  	s31 =	simm.s32 $0x2;
	[sflag:s1] =	ssyncpa.u1 $0x1  }
0x5f: {  	[sflag:s31] =	ssyncpa.u1 $0x1  }
0x60: {  	p0 =	sne.s32 s0, $0x0;
	_ =	strace $0x9000004A  }
0x61: {  	s0 =	sadd.s32 @!p0 $0x100000, s2;
	[bflag:$0x2] =	sbarrier.arrive $0xFFFF  }
0x62: {  	[sflag:s0] =	ssyncadd.tile.s32 @!p0 $0x1;
	_ =	shalt  }
.Lfunc_end1:
_tile_overlayer_lowered:
.L_overlay_start_2:
0x63: {  	(tag) =	ssettag $0x2  }
0x64: {  	s0 =	rddreg [dreg:$0x0];
	s2 =	stileid.u32  }
0x65: {  	s1 =	rddreg [dreg:$0x1];
	p0 =	sne.s32 s2, $0x0  }
0x66: {  	s3 =	rddreg [dreg:$0x2];
	[bflag:$0x3] =	sbarrier.arrive $0xFFFF;
	s2 =	simm.s32 @!p0 $0x1C01  }
0x67: {  	[timem:s3], [sflag:s2] =	dma.local @!p0 [hbm:s0], s1  }
0x68: {  	s0 =	simm.s32 @!p0 $0x1  }
0x69: {  	_ =	swait.ge @!p0 [sflag:s0], s1  }
0x6a: {  	s1 =	ssub.s32 @!p0 $0x0, s1;
	[sflag:s0] =	ssyncset.done @!p0 $0x0  }
0x6b: {  	[sflag:s0] =	ssyncadd.s32 @!p0 s1  }
0x6c: {  	[bflag:$0x3] =	sbarrier.arrive $0xFFFF  }
0x6d: {  	_ =	shalt  }

</sc_bundles>
